<compile_context>
chip_gen: v7x
topology: tpu7x:2x2x1
jax: 0.10.2.dev20260603
libtpu: 0.0.44.dev20260713+nightly
codegen_flags: <defaults>
</compile_context>

<pallas_src>
import jax
import jax.numpy as jnp
from jax import lax
from jax.experimental import pallas as pl
from jax.experimental.pallas import tpu as pltpu
from jax.experimental.pallas import tpu_sc as plsc

N = 10000
H = 32
CIN = 128
COUT = 128
CMID = 32
K = 15
CPG = 16
HID = 8
SIGMA = 1.0
LEAK = 0.1
EPS = 1e-5

TBW = 64
TW = 128
HQ = H // 4

SC_NC = 2
SC_NS = 16
NW = SC_NC * SC_NS
BPW = N * H // NW
CB = 400
NCH = BPW // CB


def _leaky(x):
    return jnp.where(x >= 0, x, LEAK * x)


def _bn_affine(st_ref, g_ref, b_ref):
    mean = st_ref[0:1, :] * (1.0 / N)
    var = st_ref[1:2, :] * (1.0 / N) - mean * mean
    scale = g_ref[...] / jnp.sqrt(var + EPS)
    bias = b_ref[...] - mean * scale
    return scale, bias


def _acc_stats(st_ref, v, width):
    s = jnp.sum(v, axis=0, keepdims=True)
    sq = jnp.sum(v * v, axis=0, keepdims=True)
    blk = jnp.concatenate([s, sq, jnp.zeros((6, width), jnp.float32)], axis=0)

    @pl.when(pl.program_id(0) == 0)
    def _():
        st_ref[...] = jnp.zeros_like(st_ref)

    st_ref[...] += blk


def _k1(x_ref, w_ref, z_ref, st_ref):
    z = jnp.dot(x_ref[...], w_ref[...], preferred_element_type=jnp.float32)
    z_ref[...] = z
    _acc_stats(st_ref, z, CMID)


def _k2(z_ref, p_ref, st_ref, g_ref, b_ref, t_ref):
    scale, bias = _bn_affine(st_ref, g_ref, b_ref)
    x = _leaky(z_ref[...] * scale + bias)
    bm = z_ref.shape[0]
    t_ref[...] = jnp.concatenate(
        [x, p_ref[...], jnp.zeros((bm, 29), jnp.float32)], axis=1)


def _sc_gather(tbl_hbm, idx_hbm, xg_hbm, pr_hbm,
               idx_v, spm_x, spm_p, bx0, bp0, bx1, bp1, sg0, sg1, sw0, sw1):
    wid = lax.axis_index("s") * SC_NC + lax.axis_index("c")
    sub = lax.axis_index("s")
    seg = N // SC_NS
    pltpu.sync_copy(tbl_hbm.at[pl.ds(sub * seg, seg), 0:32],
                    spm_x.at[pl.ds(sub * seg, seg)])
    pltpu.sync_copy(tbl_hbm.at[pl.ds(sub * seg, seg), 32:64],
                    spm_p.at[pl.ds(sub * seg, seg)])
    pltpu.sync_copy(idx_hbm.at[wid], idx_v)
    plsc.subcore_barrier()

    def gstart(c, bx, bp, sem):
        pltpu.async_copy(spm_x.at[idx_v.at[c]], bx, sem)
        pltpu.async_copy(spm_p.at[idx_v.at[c]], bp, sem)

    def gdrain(c, bx, bp, sem):
        pltpu.make_async_copy(spm_x.at[idx_v.at[c]], bx, sem).wait()
        pltpu.make_async_copy(spm_p.at[idx_v.at[c]], bp, sem).wait()

    def wstart(c, bx, bp, sem):
        base = wid * BPW + c * CB
        pltpu.async_copy(bx, xg_hbm.at[pl.ds(base, CB)], sem)
        pltpu.async_copy(bp, pr_hbm.at[pl.ds(base, CB)], sem)

    def wdrain(c, bx, bp, sem):
        base = wid * BPW + c * CB
        pltpu.make_async_copy(bx, xg_hbm.at[pl.ds(base, CB)], sem).wait()
        pltpu.make_async_copy(bp, pr_hbm.at[pl.ds(base, CB)], sem).wait()

    gstart(0, bx0, bp0, sg0)

    def body(t, _):
        a = 2 * t + 1
        b = 2 * t + 2
        gstart(a, bx1, bp1, sg1)
        gdrain(2 * t, bx0, bp0, sg0)
        wstart(2 * t, bx0, bp0, sw0)
        wdrain(2 * t, bx0, bp0, sw0)
        gstart(b, bx0, bp0, sg0)
        gdrain(a, bx1, bp1, sg1)
        wstart(a, bx1, bp1, sw1)
        wdrain(a, bx1, bp1, sw1)
        return 0

    lax.fori_loop(0, (NCH - 1) // 2, body, 0)
    gdrain(NCH - 1, bx0, bp0, sg0)
    wstart(NCH - 1, bx0, bp0, sw0)
    wdrain(NCH - 1, bx0, bp0, sw0)


def _k3(xg_ref, pr_ref, q_ref, kpn2_ref, m1_ref, m2_ref, wg1_ref, bg1_ref,
        wg2e_ref, bg2e_ref, wg2o_ref, bg2o_ref, sa_ref, s2_ref,
        out_ref, st_ref):
    bm = out_ref.shape[0]
    xg = xg_ref[...].reshape(bm, HQ, TW)
    qpad = jnp.concatenate(
        [q_ref[...], jnp.zeros((bm, 29), jnp.float32)], axis=1)
    qrep = jnp.tile(qpad, (1, HQ // 2))
    up = pr_ref[...].reshape(bm, HQ, TW) - qrep[:, None, :]
    ukp2 = jnp.dot(up.reshape(bm * HQ, TW), m1_ref[...],
                   preferred_element_type=jnp.float32)
    usq = up * up
    urep = jnp.dot(usq.reshape(bm * HQ, TW), m2_ref[...],
                   preferred_element_type=jnp.float32)
    sq = jnp.maximum(urep + ukp2 + kpn2_ref[...], 0.0)
    infl = jnp.maximum(1.0 - jnp.sqrt(sq) * (1.0 / SIGMA),
                       0.0).reshape(bm, HQ, TW)

    center = xg[:, 0, 0:CMID]
    hmid = _leaky(jnp.dot(center, wg1_ref[...],
                          preferred_element_type=jnp.float32) + bg1_ref[...])
    wv0 = jnp.dot(hmid, wg2e_ref[...],
                  preferred_element_type=jnp.float32) + bg2e_ref[...]
    wv1 = jnp.dot(hmid, wg2o_ref[...],
                  preferred_element_type=jnp.float32) + bg2o_ref[...]
    wvt = jnp.tile(jnp.concatenate([wv0, wv1], axis=1), (1, 4))

    aw = infl * wvt[:, None, :]
    a = jnp.dot(aw.reshape(bm * HQ, TW), sa_ref[...],
                preferred_element_type=jnp.float32).reshape(bm, HQ, TW)
    zs = jnp.sum(xg * a, axis=1)
    outv = jnp.dot(zs, s2_ref[...], preferred_element_type=jnp.float32)
    out_ref[...] = outv
    _acc_stats(st_ref, outv, CMID)


def _k4(y_ref, st2_ref, gk_ref, bk_ref, w2_ref, t_ref, st3_ref):
    scale, bias = _bn_affine(st2_ref, gk_ref, bk_ref)
    l = _leaky(y_ref[...] * scale + bias)
    t = jnp.dot(l, w2_ref[...], preferred_element_type=jnp.float32)
    t_ref[...] = t
    _acc_stats(st3_ref, t, COUT)


def _k5(t_ref, st3_ref, g2_ref, b2_ref, sf_ref, o_ref):
    scale, bias = _bn_affine(st3_ref, g2_ref, b2_ref)
    o_ref[...] = _leaky(t_ref[...] * scale + bias + sf_ref[...])


def kernel(q_pts, s_pts, s_feats, neighbor_indices, kernel_points,
           W1, g1, b1, Wg1, bg1, Wg2, bg2, gk, bk, W2, g2, b2):
    f32 = jnp.float32
    BM1 = 2000
    z, st1 = pl.pallas_call(
        _k1,
        grid=(N // BM1,),
        in_specs=[pl.BlockSpec((BM1, CIN), lambda i: (i, 0)),
                  pl.BlockSpec((CIN, CMID), lambda i: (0, 0))],
        out_specs=[pl.BlockSpec((BM1, CMID), lambda i: (i, 0)),
                   pl.BlockSpec((8, CMID), lambda i: (0, 0))],
        out_shape=[jax.ShapeDtypeStruct((N, CMID), f32),
                   jax.ShapeDtypeStruct((8, CMID), f32)],
    )(s_feats, W1)

    tbl = pl.pallas_call(
        _k2,
        grid=(N // BM1,),
        in_specs=[pl.BlockSpec((BM1, CMID), lambda i: (i, 0)),
                  pl.BlockSpec((BM1, 3), lambda i: (i, 0)),
                  pl.BlockSpec((8, CMID), lambda i: (0, 0)),
                  pl.BlockSpec((1, CMID), lambda i: (0, 0)),
                  pl.BlockSpec((1, CMID), lambda i: (0, 0))],
        out_specs=pl.BlockSpec((BM1, TBW), lambda i: (i, 0)),
        out_shape=jax.ShapeDtypeStruct((N, TBW), f32),
    )(z, s_pts, st1, g1.reshape(1, CMID), b1.reshape(1, CMID))

    gather = pl.kernel(
        _sc_gather,
        out_type=[jax.ShapeDtypeStruct((N * H, 32), f32),
                  jax.ShapeDtypeStruct((N * H, 32), f32)],
        scratch_types=[pltpu.VMEM((NCH, CB), jnp.int32),
                       pltpu.VMEM_SHARED((N, 32), f32),
                       pltpu.VMEM_SHARED((N, 32), f32),
                       pltpu.VMEM((CB, 32), f32),
                       pltpu.VMEM((CB, 32), f32),
                       pltpu.VMEM((CB, 32), f32),
                       pltpu.VMEM((CB, 32), f32),
                       pltpu.SemaphoreType.DMA,
                       pltpu.SemaphoreType.DMA,
                       pltpu.SemaphoreType.DMA,
                       pltpu.SemaphoreType.DMA],
        mesh=plsc.VectorSubcoreMesh(core_axis_name="c", subcore_axis_name="s"),
        compiler_params=pltpu.CompilerParams(use_tc_tiling_on_sc=False),
    )
    xg_o, pr_o = gather(tbl, neighbor_indices.reshape(NW, NCH, CB))
    xg = xg_o.reshape(N * H // 4, TW)
    prg = pr_o.reshape(N * H // 4, TW)

    kpad = jnp.concatenate(
        [kernel_points.T, jnp.full((3, 1), 1e6, f32)], axis=1)
    kpb = jnp.concatenate(
        [jnp.tile(kpad, (1, 2)), jnp.zeros((29, 32), f32)], axis=0)
    m1 = jnp.kron(jnp.eye(4, dtype=f32), -2.0 * kpb)
    m2 = jnp.kron(jnp.eye(4, dtype=f32), jnp.ones((32, 32), f32))
    kpn2 = jnp.tile(jnp.sum(kpad * kpad, axis=0).reshape(1, 16), (1, 8))
    Wg2r = jnp.concatenate(
        [Wg2.reshape(HID, K, 2), jnp.zeros((HID, 1, 2), f32)], axis=1)
    bg2r = jnp.concatenate([bg2.reshape(K, 2), jnp.zeros((1, 2), f32)], axis=0)
    sa = jnp.kron(jnp.eye(8, dtype=f32), jnp.ones((16, 16), f32))
    s2 = jnp.kron(jnp.ones((4, 1), f32), jnp.eye(32, dtype=f32))

    BM3 = 1000
    out, st2 = pl.pallas_call(
        _k3,
        grid=(N // BM3,),
        in_specs=[pl.BlockSpec((BM3 * HQ, TW), lambda i: (i, 0)),
                  pl.BlockSpec((BM3 * HQ, TW), lambda i: (i, 0)),
                  pl.BlockSpec((BM3, 3), lambda i: (i, 0)),
                  pl.BlockSpec((1, TW), lambda i: (0, 0)),
                  pl.BlockSpec((TW, TW), lambda i: (0, 0)),
                  pl.BlockSpec((TW, TW), lambda i: (0, 0)),
                  pl.BlockSpec((CMID, HID), lambda i: (0, 0)),
                  pl.BlockSpec((1, HID), lambda i: (0, 0)),
                  pl.BlockSpec((HID, 16), lambda i: (0, 0)),
                  pl.BlockSpec((1, 16), lambda i: (0, 0)),
                  pl.BlockSpec((HID, 16), lambda i: (0, 0)),
                  pl.BlockSpec((1, 16), lambda i: (0, 0)),
                  pl.BlockSpec((TW, TW), lambda i: (0, 0)),
                  pl.BlockSpec((TW, CMID), lambda i: (0, 0))],
        out_specs=[pl.BlockSpec((BM3, CMID), lambda i: (i, 0)),
                   pl.BlockSpec((8, CMID), lambda i: (0, 0))],
        out_shape=[jax.ShapeDtypeStruct((N, CMID), f32),
                   jax.ShapeDtypeStruct((8, CMID), f32)],
    )(xg, prg, q_pts, kpn2, m1, m2, Wg1, bg1.reshape(1, HID),
      Wg2r[:, :, 0], bg2r[:, 0].reshape(1, 16),
      Wg2r[:, :, 1], bg2r[:, 1].reshape(1, 16), sa, s2)

    BM4 = 2000
    t2, st3 = pl.pallas_call(
        _k4,
        grid=(N // BM4,),
        in_specs=[pl.BlockSpec((BM4, CMID), lambda i: (i, 0)),
                  pl.BlockSpec((8, CMID), lambda i: (0, 0)),
                  pl.BlockSpec((1, CMID), lambda i: (0, 0)),
                  pl.BlockSpec((1, CMID), lambda i: (0, 0)),
                  pl.BlockSpec((CMID, COUT), lambda i: (0, 0))],
        out_specs=[pl.BlockSpec((BM4, COUT), lambda i: (i, 0)),
                   pl.BlockSpec((8, COUT), lambda i: (0, 0))],
        out_shape=[jax.ShapeDtypeStruct((N, COUT), f32),
                   jax.ShapeDtypeStruct((8, COUT), f32)],
    )(out, st2, gk.reshape(1, CMID), bk.reshape(1, CMID), W2)

    res = pl.pallas_call(
        _k5,
        grid=(N // BM4,),
        in_specs=[pl.BlockSpec((BM4, COUT), lambda i: (i, 0)),
                  pl.BlockSpec((8, COUT), lambda i: (0, 0)),
                  pl.BlockSpec((1, COUT), lambda i: (0, 0)),
                  pl.BlockSpec((1, COUT), lambda i: (0, 0)),
                  pl.BlockSpec((BM4, COUT), lambda i: (i, 0))],
        out_specs=pl.BlockSpec((BM4, COUT), lambda i: (i, 0)),
        out_shape=jax.ShapeDtypeStruct((N, COUT), f32),
    )(t2, st3, g2.reshape(1, COUT), b2.reshape(1, COUT), s_feats)

    return res

# --- scband reference (transcript-rebuilt; emitter-appended) ---
"""Pipeline reference for scband-kpinv-residual-block-66271345377642 (READ-ONLY COPY).

The authoritative reference and input builder live on the scoring server;
editing this copy changes nothing except your own understanding.
"""

import jax, jax.numpy as jnp
import numpy as np

N = 10000
H = 32
CIN = 128
COUT = 128
CMID = COUT // 4
K = 15
CPG = 16
G = CMID // CPG
RED = 4
HID = CMID // RED
RADIUS = 2.5
SIGMA = 1.0
LEAK = 0.1
EPS = 1e-5

def leaky(x):
    return jnp.where(x >= 0, x, LEAK * x)

def batch_norm(x, gamma, beta):
    m = jnp.mean(x, axis=0, keepdims=True)
    v = jnp.var(x, axis=0, keepdims=True)
    return (x - m) / jnp.sqrt(v + EPS) * gamma + beta

def setup_inputs(seed: int = 0):
    key = jax.random.key(seed)
    ks = jax.random.split(key, 16)
    q_pts = jax.random.uniform(ks[0], (N, 3), dtype=jnp.float32)
    s_pts = jax.random.uniform(ks[1], (N, 3), dtype=jnp.float32)
    s_feats = jax.random.normal(ks[2], (N, CIN), dtype=jnp.float32)
    neighbor_indices = jax.random.randint(ks[3], (N, H), 0, N, dtype=jnp.int32)
    kp = jax.random.normal(ks[4], (K, 3), dtype=jnp.float32)
    kernel_points = kp / (jnp.linalg.norm(kp, axis=1, keepdims=True) + 1e-9) * jax.random.uniform(ks[5], (K, 1), dtype=jnp.float32) * RADIUS * 0.7
    W1 = jax.random.normal(ks[6], (CIN, CMID), dtype=jnp.float32) * (1.0 / np.sqrt(CIN))
    g1 = jnp.ones((CMID,), jnp.float32); b1 = jnp.zeros((CMID,), jnp.float32)
    Wg1 = jax.random.normal(ks[7], (CMID, HID), dtype=jnp.float32) * (1.0 / np.sqrt(CMID))
    bg1 = jnp.zeros((HID,), jnp.float32)
    Wg2 = jax.random.normal(ks[8], (HID, K * G), dtype=jnp.float32) * (1.0 / np.sqrt(HID))
    bg2 = jnp.zeros((K * G,), jnp.float32)
    gk = jnp.ones((CMID,), jnp.float32); bk = jnp.zeros((CMID,), jnp.float32)
    W2 = jax.random.normal(ks[9], (CMID, COUT), dtype=jnp.float32) * (1.0 / np.sqrt(CMID))
    g2 = jnp.ones((COUT,), jnp.float32); b2 = jnp.zeros((COUT,), jnp.float32)
    return {"q_pts": q_pts, "s_pts": s_pts, "s_feats": s_feats, "neighbor_indices": neighbor_indices, "kernel_points": kernel_points, "W1": W1, "g1": g1, "b1": b1, "Wg1": Wg1, "bg1": bg1, "Wg2": Wg2, "bg2": bg2, "gk": gk, "bk": bk, "W2": W2, "g2": g2, "b2": b2}

def kpinv_conv(q_pts, s_pts, x, neighbor_indices, kernel_points, Wg1, bg1, Wg2, bg2):
    M = q_pts.shape[0]
    # pad support points with a distant shadow point (shadow index = N)
    s_pts_pad = jnp.concatenate([s_pts, jnp.full((1, 3), 1e6, s_pts.dtype)], axis=0)
    neighbors = s_pts_pad[neighbor_indices]  # (M, H, 3) gather
    diffs = neighbors - q_pts[:, None, :]    # (M, H, 3)
    # distances from each neighbor to each kernel point (geometry under no_grad in torch)
    sq_d = jnp.sum((diffs[:, None, :, :] - kernel_points[None, :, None, :]) ** 2, axis=-1)  # (M, K, H)
    dists = jnp.sqrt(sq_d)
    influence = jnp.clip(1.0 - dists / SIGMA, 0.0, None)  # 'linear' influence, 'sum' aggregation
    influence = jax.lax.stop_gradient(influence)
    # pad features with zero shadow feature
    x_pad = jnp.concatenate([x, jnp.zeros((1, x.shape[1]), x.dtype)], axis=0)
    neighb_feats = x_pad[neighbor_indices]   # (M, H, Cmid) gather
    weighted = jnp.einsum('mkh,mhc->mkc', influence, neighb_feats)  # (M, K, Cmid)
    # involution: generate per-group kernel weights from the center (first-neighbor) feature
    center = neighb_feats[:, 0, :]
    hmid = leaky(center @ Wg1 + bg1)
    w = (hmid @ Wg2 + bg2).reshape(M, K, G)
    wf = weighted.reshape(M, K, G, CPG)
    out = jnp.sum(wf * w[..., None], axis=1).reshape(M, CMID)
    return out

def reference(q_pts, s_pts, s_feats, neighbor_indices, kernel_points, W1, g1, b1, Wg1, bg1, Wg2, bg2, gk, bk, W2, g2, b2):
    # unary1: Linear -> BN -> LeakyReLU (in_channels != mid_channels)
    x = leaky(batch_norm(s_feats @ W1, g1, b1))
    # KPInvBlock: KPInv conv -> BN -> LeakyReLU
    y = kpinv_conv(q_pts, s_pts, x, neighbor_indices, kernel_points, Wg1, bg1, Wg2, bg2)
    y = leaky(batch_norm(y, gk, bk))
    # unary2: Linear -> BN (no activation)
    y = batch_norm(y @ W2, g2, b2)
    # shortcut: identity (in_channels == out_channels, not strided)
    return leaky(y + s_feats)

if __name__ == "__main__":
    import jax
    _d = setup_inputs()
    print(jax.jit(kernel)(*tuple(_d.values())))

</pallas_src>

<mosaic_0001>
#map = affine_map<(d0, d1) -> (0, 0)>
#map1 = affine_map<(d0, d1) -> (0, 0, 0)>
module attributes {stable_mosaic.version = 14 : i64} {
  func.func @_sc_gather(%arg0: i32, %arg1: i32, %arg2: memref<10000x64xf32, #tpu.memory_space<hbm>>, %arg3: memref<32x25x400xi32, #tpu.memory_space<hbm>>, %arg4: memref<320000x32xf32, #tpu.memory_space<hbm>>, %arg5: memref<320000x32xf32, #tpu.memory_space<hbm>>, %arg6: memref<25x400xi32, #tpu.memory_space<vmem>>, %arg7: memref<10000x32xf32, #tpu.memory_space<vmem_shared>>, %arg8: memref<10000x32xf32, #tpu.memory_space<vmem_shared>>, %arg9: memref<400x32xf32, #tpu.memory_space<vmem>>, %arg10: memref<400x32xf32, #tpu.memory_space<vmem>>, %arg11: memref<400x32xf32, #tpu.memory_space<vmem>>, %arg12: memref<400x32xf32, #tpu.memory_space<vmem>>, %arg13: memref<!tpu.dma_semaphore, #tpu.memory_space<semaphore_mem>>, %arg14: memref<!tpu.dma_semaphore, #tpu.memory_space<semaphore_mem>>, %arg15: memref<!tpu.dma_semaphore, #tpu.memory_space<semaphore_mem>>, %arg16: memref<!tpu.dma_semaphore, #tpu.memory_space<semaphore_mem>>) attributes {dimension_semantics = [#tpu.dimension_semantics<core_parallel>, #tpu.dimension_semantics<subcore_parallel>], iteration_bounds = array<i64: 2, 16>, scalar_prefetch = 0 : i64, scratch_operands = 11 : i64, tpu.core_type = #tpu.core_type<sc_vector_subcore>, window_params = [{transform_indices = #map}, {transform_indices = #map1}, {transform_indices = #map}, {transform_indices = #map}]} {
    %mul3A = arith.constant 2 : i32
    %mul3A_0 = arith.muli %arg1, %mul3A : i32
    %add3A = arith.addi %mul3A_0, %arg0 : i32
    %mul3A_1 = arith.constant 625 : i32
    %mul3A_2 = arith.muli %arg1, %mul3A_1 : i32
    %mul3A_3 = arith.constant 625 : i32
    %mul3A_4 = arith.muli %arg1, %mul3A_3 : i32
    "tpu.region"() ({
      %run_scoped3A = tpu.sem_alloc : memref<!tpu.dma_semaphore, #tpu.memory_space<semaphore_mem>>
      %dma_start3A_65 = arith.constant 0 : i32
      %dma_start3A_66 = tpu.memref_slice %arg7[%mul3A_4, %dma_start3A_65] : memref<10000x32xf32, #tpu.memory_space<vmem_shared>> -> memref<625x32xf32, #tpu.memory_space<vmem_shared>>
      %dma_start3A_67 = arith.constant 0 : i32
      %dma_start3A_68 = tpu.memref_slice %arg2[%mul3A_2, %dma_start3A_67] : memref<10000x64xf32, #tpu.memory_space<hbm>> -> memref<625x32xf32, #tpu.memory_space<hbm>>
      tpu.enqueue_dma source(%dma_start3A_68 : memref<625x32xf32, #tpu.memory_space<hbm>>) target(%dma_start3A_66 : memref<625x32xf32, #tpu.memory_space<vmem_shared>>) target_semaphore(%run_scoped3A : memref<!tpu.dma_semaphore, #tpu.memory_space<semaphore_mem>>)
      %dma_wait3A_69 = arith.constant 0 : i32
      %dma_wait3A_70 = tpu.memref_slice %arg7[%mul3A_4, %dma_wait3A_69] : memref<10000x32xf32, #tpu.memory_space<vmem_shared>> -> memref<625x32xf32, #tpu.memory_space<vmem_shared>>
      %dma_wait3A_71 = arith.constant 0 : i32
      %dma_wait3A_72 = tpu.memref_slice %arg2[%mul3A_2, %dma_wait3A_71] : memref<10000x64xf32, #tpu.memory_space<hbm>> -> memref<625x32xf32, #tpu.memory_space<hbm>>
      tpu.wait_dma2 semaphore(%run_scoped3A : memref<!tpu.dma_semaphore, #tpu.memory_space<semaphore_mem>>) src(%dma_wait3A_72 : memref<625x32xf32, #tpu.memory_space<hbm>>) dst(%dma_wait3A_70 : memref<625x32xf32, #tpu.memory_space<vmem_shared>>)
      tpu.yield
    }) : () -> ()
    %mul3A_5 = arith.constant 625 : i32
    %mul3A_6 = arith.muli %arg1, %mul3A_5 : i32
    %mul3A_7 = arith.constant 625 : i32
    %mul3A_8 = arith.muli %arg1, %mul3A_7 : i32
    "tpu.region"() ({
      %run_scoped3A = tpu.sem_alloc : memref<!tpu.dma_semaphore, #tpu.memory_space<semaphore_mem>>
      %dma_start3A_65 = arith.constant 0 : i32
      %dma_start3A_66 = tpu.memref_slice %arg8[%mul3A_8, %dma_start3A_65] : memref<10000x32xf32, #tpu.memory_space<vmem_shared>> -> memref<625x32xf32, #tpu.memory_space<vmem_shared>>
      %dma_start3A_67 = arith.constant 32 : i32
      %dma_start3A_68 = tpu.memref_slice %arg2[%mul3A_6, %dma_start3A_67] : memref<10000x64xf32, #tpu.memory_space<hbm>> -> memref<625x32xf32, #tpu.memory_space<hbm>>
      tpu.enqueue_dma source(%dma_start3A_68 : memref<625x32xf32, #tpu.memory_space<hbm>>) target(%dma_start3A_66 : memref<625x32xf32, #tpu.memory_space<vmem_shared>>) target_semaphore(%run_scoped3A : memref<!tpu.dma_semaphore, #tpu.memory_space<semaphore_mem>>)
      %dma_wait3A_69 = arith.constant 0 : i32
      %dma_wait3A_70 = tpu.memref_slice %arg8[%mul3A_8, %dma_wait3A_69] : memref<10000x32xf32, #tpu.memory_space<vmem_shared>> -> memref<625x32xf32, #tpu.memory_space<vmem_shared>>
      %dma_wait3A_71 = arith.constant 32 : i32
      %dma_wait3A_72 = tpu.memref_slice %arg2[%mul3A_6, %dma_wait3A_71] : memref<10000x64xf32, #tpu.memory_space<hbm>> -> memref<625x32xf32, #tpu.memory_space<hbm>>
      tpu.wait_dma2 semaphore(%run_scoped3A : memref<!tpu.dma_semaphore, #tpu.memory_space<semaphore_mem>>) src(%dma_wait3A_72 : memref<625x32xf32, #tpu.memory_space<hbm>>) dst(%dma_wait3A_70 : memref<625x32xf32, #tpu.memory_space<vmem_shared>>)
      tpu.yield
    }) : () -> ()
    "tpu.region"() ({
      %run_scoped3A = tpu.sem_alloc : memref<!tpu.dma_semaphore, #tpu.memory_space<semaphore_mem>>
      %dma_start3A_65 = arith.constant 0 : i32
      %dma_start3A_66 = arith.constant 0 : i32
      %dma_start3A_67 = tpu.memref_slice %arg3[%add3A, %dma_start3A_65, %dma_start3A_66] : memref<32x25x400xi32, #tpu.memory_space<hbm>> -> memref<1x25x400xi32, #tpu.memory_space<hbm>>
      %dma_start3A_68 = tpu.memref_squeeze %dma_start3A_67 : memref<1x25x400xi32, #tpu.memory_space<hbm>> -> memref<25x400xi32, #tpu.memory_space<hbm>>
      %dma_start3A_69 = arith.constant 0 : i32
      %dma_start3A_70 = arith.constant 0 : i32
      %dma_start3A_71 = tpu.memref_slice %arg3[%add3A, %dma_start3A_69, %dma_start3A_70] : memref<32x25x400xi32, #tpu.memory_space<hbm>> -> memref<1x25x400xi32, #tpu.memory_space<hbm>>
      %dma_start3A_72 = tpu.memref_squeeze %dma_start3A_71 : memref<1x25x400xi32, #tpu.memory_space<hbm>> -> memref<25x400xi32, #tpu.memory_space<hbm>>
      tpu.enqueue_dma source(%dma_start3A_72 : memref<25x400xi32, #tpu.memory_space<hbm>>) target(%arg6 : memref<25x400xi32, #tpu.memory_space<vmem>>) target_semaphore(%run_scoped3A : memref<!tpu.dma_semaphore, #tpu.memory_space<semaphore_mem>>)
      %dma_wait3A_73 = arith.constant 0 : i32
      %dma_wait3A_74 = arith.constant 0 : i32
      %dma_wait3A_75 = tpu.memref_slice %arg3[%add3A, %dma_wait3A_73, %dma_wait3A_74] : memref<32x25x400xi32, #tpu.memory_space<hbm>> -> memref<1x25x400xi32, #tpu.memory_space<hbm>>
      %dma_wait3A_76 = tpu.memref_squeeze %dma_wait3A_75 : memref<1x25x400xi32, #tpu.memory_space<hbm>> -> memref<25x400xi32, #tpu.memory_space<hbm>>
      %dma_wait3A_77 = arith.constant 0 : i32
      %dma_wait3A_78 = arith.constant 0 : i32
      %dma_wait3A_79 = tpu.memref_slice %arg3[%add3A, %dma_wait3A_77, %dma_wait3A_78] : memref<32x25x400xi32, #tpu.memory_space<hbm>> -> memref<1x25x400xi32, #tpu.memory_space<hbm>>
      %dma_wait3A_80 = tpu.memref_squeeze %dma_wait3A_79 : memref<1x25x400xi32, #tpu.memory_space<hbm>> -> memref<25x400xi32, #tpu.memory_space<hbm>>
      tpu.wait_dma2 semaphore(%run_scoped3A : memref<!tpu.dma_semaphore, #tpu.memory_space<semaphore_mem>>) src(%dma_wait3A_80 : memref<25x400xi32, #tpu.memory_space<hbm>>) dst(%arg6 : memref<25x400xi32, #tpu.memory_space<vmem>>)
      tpu.yield
    }) : () -> ()
    %barrier3A = arith.constant 0 : index
    tpu.barrier barrier_id(%barrier3A)
    %dma_start3A = arith.constant 0 : i32
    %dma_start3A_9 = arith.constant 0 : i32
    %dma_start3A_10 = tpu.memref_slice %arg6[%dma_start3A, %dma_start3A_9] : memref<25x400xi32, #tpu.memory_space<vmem>> -> memref<1x400xi32, #tpu.memory_space<vmem>>
    %dma_start3A_11 = tpu.memref_squeeze %dma_start3A_10 : memref<1x400xi32, #tpu.memory_space<vmem>> -> memref<400xi32, #tpu.memory_space<vmem>>
    %dma_start3A_12 = arith.constant 0 : i32
    %dma_start3A_13 = arith.constant 0 : i32
    %dma_start3A_14 = tpu.memref_slice %arg7[%dma_start3A_12, %dma_start3A_13] : memref<10000x32xf32, #tpu.memory_space<vmem_shared>> -> memref<10000x32xf32, #tpu.memory_space<vmem_shared>>
    tpu.enqueue_indirect_dma source(%dma_start3A_14 : memref<10000x32xf32, #tpu.memory_space<vmem_shared>>) target(%arg9 : memref<400x32xf32, #tpu.memory_space<vmem>>) offsets(%dma_start3A_11 : memref<400xi32, #tpu.memory_space<vmem>>) semaphore(%arg13 : memref<!tpu.dma_semaphore, #tpu.memory_space<semaphore_mem>>)
    %dma_start3A_15 = arith.constant 0 : i32
    %dma_start3A_16 = arith.constant 0 : i32
    %dma_start3A_17 = tpu.memref_slice %arg6[%dma_start3A_15, %dma_start3A_16] : memref<25x400xi32, #tpu.memory_space<vmem>> -> memref<1x400xi32, #tpu.memory_space<vmem>>
    %dma_start3A_18 = tpu.memref_squeeze %dma_start3A_17 : memref<1x400xi32, #tpu.memory_space<vmem>> -> memref<400xi32, #tpu.memory_space<vmem>>
    %dma_start3A_19 = arith.constant 0 : i32
    %dma_start3A_20 = arith.constant 0 : i32
    %dma_start3A_21 = tpu.memref_slice %arg8[%dma_start3A_19, %dma_start3A_20] : memref<10000x32xf32, #tpu.memory_space<vmem_shared>> -> memref<10000x32xf32, #tpu.memory_space<vmem_shared>>
    tpu.enqueue_indirect_dma source(%dma_start3A_21 : memref<10000x32xf32, #tpu.memory_space<vmem_shared>>) target(%arg10 : memref<400x32xf32, #tpu.memory_space<vmem>>) offsets(%dma_start3A_18 : memref<400xi32, #tpu.memory_space<vmem>>) semaphore(%arg13 : memref<!tpu.dma_semaphore, #tpu.memory_space<semaphore_mem>>)
    %scan3A = arith.constant 0 : i32
    %scan3A_22 = arith.constant 0 : i32
    %scan3A_23 = arith.constant 12 : i32
    %scan3A_24 = arith.addi %scan3A_22, %scan3A_23 : i32
    %scan3A_25 = arith.constant 1 : i32
    %scan3A_26 = scf.for %scan3A_65 = %scan3A_22 to %scan3A_24 step %scan3A_25 iter_args(%scan3A_66 = %scan3A) -> (i32)  : i32 {
      %mul3A_67 = arith.constant 2 : i32
      %mul3A_68 = arith.muli %mul3A_67, %scan3A_65 : i32
      %add3A_69 = arith.constant 1 : i32
      %add3A_70 = arith.addi %mul3A_68, %add3A_69 : i32
      %mul3A_71 = arith.constant 2 : i32
      %mul3A_72 = arith.muli %mul3A_71, %scan3A_65 : i32
      %add3A_73 = arith.constant 2 : i32
      %add3A_74 = arith.addi %mul3A_72, %add3A_73 : i32
      %dma_start3A_75 = arith.constant 0 : i32
      %dma_start3A_76 = tpu.memref_slice %arg6[%add3A_70, %dma_start3A_75] : memref<25x400xi32, #tpu.memory_space<vmem>> -> memref<1x400xi32, #tpu.memory_space<vmem>>
      %dma_start3A_77 = tpu.memref_squeeze %dma_start3A_76 : memref<1x400xi32, #tpu.memory_space<vmem>> -> memref<400xi32, #tpu.memory_space<vmem>>
      %dma_start3A_78 = arith.constant 0 : i32
      %dma_start3A_79 = arith.constant 0 : i32
      %dma_start3A_80 = tpu.memref_slice %arg7[%dma_start3A_78, %dma_start3A_79] : memref<10000x32xf32, #tpu.memory_space<vmem_shared>> -> memref<10000x32xf32, #tpu.memory_space<vmem_shared>>
      tpu.enqueue_indirect_dma source(%dma_start3A_80 : memref<10000x32xf32, #tpu.memory_space<vmem_shared>>) target(%arg11 : memref<400x32xf32, #tpu.memory_space<vmem>>) offsets(%dma_start3A_77 : memref<400xi32, #tpu.memory_space<vmem>>) semaphore(%arg14 : memref<!tpu.dma_semaphore, #tpu.memory_space<semaphore_mem>>)
      %dma_start3A_81 = arith.constant 0 : i32
      %dma_start3A_82 = tpu.memref_slice %arg6[%add3A_70, %dma_start3A_81] : memref<25x400xi32, #tpu.memory_space<vmem>> -> memref<1x400xi32, #tpu.memory_space<vmem>>
      %dma_start3A_83 = tpu.memref_squeeze %dma_start3A_82 : memref<1x400xi32, #tpu.memory_space<vmem>> -> memref<400xi32, #tpu.memory_space<vmem>>
      %dma_start3A_84 = arith.constant 0 : i32
      %dma_start3A_85 = arith.constant 0 : i32
      %dma_start3A_86 = tpu.memref_slice %arg8[%dma_start3A_84, %dma_start3A_85] : memref<10000x32xf32, #tpu.memory_space<vmem_shared>> -> memref<10000x32xf32, #tpu.memory_space<vmem_shared>>
      tpu.enqueue_indirect_dma source(%dma_start3A_86 : memref<10000x32xf32, #tpu.memory_space<vmem_shared>>) target(%arg12 : memref<400x32xf32, #tpu.memory_space<vmem>>) offsets(%dma_start3A_83 : memref<400xi32, #tpu.memory_space<vmem>>) semaphore(%arg14 : memref<!tpu.dma_semaphore, #tpu.memory_space<semaphore_mem>>)
      %mul3A_87 = arith.constant 2 : i32
      %mul3A_88 = arith.muli %mul3A_87, %scan3A_65 : i32
      %dma_wait3A_89 = arith.constant 0 : i32
      %dma_wait3A_90 = tpu.memref_slice %arg6[%mul3A_88, %dma_wait3A_89] : memref<25x400xi32, #tpu.memory_space<vmem>> -> memref<1x400xi32, #tpu.memory_space<vmem>>
      %dma_wait3A_91 = tpu.memref_squeeze %dma_wait3A_90 : memref<1x400xi32, #tpu.memory_space<vmem>> -> memref<400xi32, #tpu.memory_space<vmem>>
      %dma_wait3A_92 = arith.constant 0 : i32
      %dma_wait3A_93 = arith.constant 0 : i32
      %dma_wait3A_94 = tpu.memref_slice %arg7[%dma_wait3A_92, %dma_wait3A_93] : memref<10000x32xf32, #tpu.memory_space<vmem_shared>> -> memref<10000x32xf32, #tpu.memory_space<vmem_shared>>
      tpu.wait_indirect_dma semaphore(%arg13 : memref<!tpu.dma_semaphore, #tpu.memory_space<semaphore_mem>>) src(%dma_wait3A_94 : memref<10000x32xf32, #tpu.memory_space<vmem_shared>>) dst(%arg9 : memref<400x32xf32, #tpu.memory_space<vmem>>)
      %dma_wait3A_95 = arith.constant 0 : i32
      %dma_wait3A_96 = tpu.memref_slice %arg6[%mul3A_88, %dma_wait3A_95] : memref<25x400xi32, #tpu.memory_space<vmem>> -> memref<1x400xi32, #tpu.memory_space<vmem>>
      %dma_wait3A_97 = tpu.memref_squeeze %dma_wait3A_96 : memref<1x400xi32, #tpu.memory_space<vmem>> -> memref<400xi32, #tpu.memory_space<vmem>>
      %dma_wait3A_98 = arith.constant 0 : i32
      %dma_wait3A_99 = arith.constant 0 : i32
      %dma_wait3A_100 = tpu.memref_slice %arg8[%dma_wait3A_98, %dma_wait3A_99] : memref<10000x32xf32, #tpu.memory_space<vmem_shared>> -> memref<10000x32xf32, #tpu.memory_space<vmem_shared>>
      tpu.wait_indirect_dma semaphore(%arg13 : memref<!tpu.dma_semaphore, #tpu.memory_space<semaphore_mem>>) src(%dma_wait3A_100 : memref<10000x32xf32, #tpu.memory_space<vmem_shared>>) dst(%arg10 : memref<400x32xf32, #tpu.memory_space<vmem>>)
      %mul3A_101 = arith.constant 2 : i32
      %mul3A_102 = arith.muli %mul3A_101, %scan3A_65 : i32
      %mul3A_103 = arith.constant 10000 : i32
      %mul3A_104 = arith.muli %add3A, %mul3A_103 : i32
      %mul3A_105 = arith.constant 400 : i32
      %mul3A_106 = arith.muli %mul3A_102, %mul3A_105 : i32
      %add3A_107 = arith.addi %mul3A_104, %mul3A_106 : i32
      %dma_start3A_108 = arith.constant 0 : i32
      %dma_start3A_109 = tpu.memref_slice %arg4[%add3A_107, %dma_start3A_108] : memref<320000x32xf32, #tpu.memory_space<hbm>> -> memref<400x32xf32, #tpu.memory_space<hbm>>
      %dma_start3A_110 = arith.constant 0 : i32
      %dma_start3A_111 = tpu.memref_slice %arg4[%add3A_107, %dma_start3A_110] : memref<320000x32xf32, #tpu.memory_space<hbm>> -> memref<400x32xf32, #tpu.memory_space<hbm>>
      tpu.enqueue_dma source(%arg9 : memref<400x32xf32, #tpu.memory_space<vmem>>) target(%dma_start3A_111 : memref<400x32xf32, #tpu.memory_space<hbm>>) target_semaphore(%arg15 : memref<!tpu.dma_semaphore, #tpu.memory_space<semaphore_mem>>)
      %dma_start3A_112 = arith.constant 0 : i32
      %dma_start3A_113 = tpu.memref_slice %arg5[%add3A_107, %dma_start3A_112] : memref<320000x32xf32, #tpu.memory_space<hbm>> -> memref<400x32xf32, #tpu.memory_space<hbm>>
      %dma_start3A_114 = arith.constant 0 : i32
      %dma_start3A_115 = tpu.memref_slice %arg5[%add3A_107, %dma_start3A_114] : memref<320000x32xf32, #tpu.memory_space<hbm>> -> memref<400x32xf32, #tpu.memory_space<hbm>>
      tpu.enqueue_dma source(%arg10 : memref<400x32xf32, #tpu.memory_space<vmem>>) target(%dma_start3A_115 : memref<400x32xf32, #tpu.memory_space<hbm>>) target_semaphore(%arg15 : memref<!tpu.dma_semaphore, #tpu.memory_space<semaphore_mem>>)
      %mul3A_116 = arith.constant 2 : i32
      %mul3A_117 = arith.muli %mul3A_116, %scan3A_65 : i32
      %mul3A_118 = arith.constant 10000 : i32
      %mul3A_119 = arith.muli %add3A, %mul3A_118 : i32
      %mul3A_120 = arith.constant 400 : i32
      %mul3A_121 = arith.muli %mul3A_117, %mul3A_120 : i32
      %add3A_122 = arith.addi %mul3A_119, %mul3A_121 : i32
      %dma_wait3A_123 = arith.constant 0 : i32
      %dma_wait3A_124 = tpu.memref_slice %arg4[%add3A_122, %dma_wait3A_123] : memref<320000x32xf32, #tpu.memory_space<hbm>> -> memref<400x32xf32, #tpu.memory_space<hbm>>
      %dma_wait3A_125 = arith.constant 0 : i32
      %dma_wait3A_126 = tpu.memref_slice %arg4[%add3A_122, %dma_wait3A_125] : memref<320000x32xf32, #tpu.memory_space<hbm>> -> memref<400x32xf32, #tpu.memory_space<hbm>>
      tpu.wait_dma2 semaphore(%arg15 : memref<!tpu.dma_semaphore, #tpu.memory_space<semaphore_mem>>) src(%arg9 : memref<400x32xf32, #tpu.memory_space<vmem>>) dst(%dma_wait3A_126 : memref<400x32xf32, #tpu.memory_space<hbm>>)
      %dma_wait3A_127 = arith.constant 0 : i32
      %dma_wait3A_128 = tpu.memref_slice %arg5[%add3A_122, %dma_wait3A_127] : memref<320000x32xf32, #tpu.memory_space<hbm>> -> memref<400x32xf32, #tpu.memory_space<hbm>>
      %dma_wait3A_129 = arith.constant 0 : i32
      %dma_wait3A_130 = tpu.memref_slice %arg5[%add3A_122, %dma_wait3A_129] : memref<320000x32xf32, #tpu.memory_space<hbm>> -> memref<400x32xf32, #tpu.memory_space<hbm>>
      tpu.wait_dma2 semaphore(%arg15 : memref<!tpu.dma_semaphore, #tpu.memory_space<semaphore_mem>>) src(%arg10 : memref<400x32xf32, #tpu.memory_space<vmem>>) dst(%dma_wait3A_130 : memref<400x32xf32, #tpu.memory_space<hbm>>)
      %dma_start3A_131 = arith.constant 0 : i32
      %dma_start3A_132 = tpu.memref_slice %arg6[%add3A_74, %dma_start3A_131] : memref<25x400xi32, #tpu.memory_space<vmem>> -> memref<1x400xi32, #tpu.memory_space<vmem>>
      %dma_start3A_133 = tpu.memref_squeeze %dma_start3A_132 : memref<1x400xi32, #tpu.memory_space<vmem>> -> memref<400xi32, #tpu.memory_space<vmem>>
      %dma_start3A_134 = arith.constant 0 : i32
      %dma_start3A_135 = arith.constant 0 : i32
      %dma_start3A_136 = tpu.memref_slice %arg7[%dma_start3A_134, %dma_start3A_135] : memref<10000x32xf32, #tpu.memory_space<vmem_shared>> -> memref<10000x32xf32, #tpu.memory_space<vmem_shared>>
      tpu.enqueue_indirect_dma source(%dma_start3A_136 : memref<10000x32xf32, #tpu.memory_space<vmem_shared>>) target(%arg9 : memref<400x32xf32, #tpu.memory_space<vmem>>) offsets(%dma_start3A_133 : memref<400xi32, #tpu.memory_space<vmem>>) semaphore(%arg13 : memref<!tpu.dma_semaphore, #tpu.memory_space<semaphore_mem>>)
      %dma_start3A_137 = arith.constant 0 : i32
      %dma_start3A_138 = tpu.memref_slice %arg6[%add3A_74, %dma_start3A_137] : memref<25x400xi32, #tpu.memory_space<vmem>> -> memref<1x400xi32, #tpu.memory_space<vmem>>
      %dma_start3A_139 = tpu.memref_squeeze %dma_start3A_138 : memref<1x400xi32, #tpu.memory_space<vmem>> -> memref<400xi32, #tpu.memory_space<vmem>>
      %dma_start3A_140 = arith.constant 0 : i32
      %dma_start3A_141 = arith.constant 0 : i32
      %dma_start3A_142 = tpu.memref_slice %arg8[%dma_start3A_140, %dma_start3A_141] : memref<10000x32xf32, #tpu.memory_space<vmem_shared>> -> memref<10000x32xf32, #tpu.memory_space<vmem_shared>>
      tpu.enqueue_indirect_dma source(%dma_start3A_142 : memref<10000x32xf32, #tpu.memory_space<vmem_shared>>) target(%arg10 : memref<400x32xf32, #tpu.memory_space<vmem>>) offsets(%dma_start3A_139 : memref<400xi32, #tpu.memory_space<vmem>>) semaphore(%arg13 : memref<!tpu.dma_semaphore, #tpu.memory_space<semaphore_mem>>)
      %dma_wait3A_143 = arith.constant 0 : i32
      %dma_wait3A_144 = tpu.memref_slice %arg6[%add3A_70, %dma_wait3A_143] : memref<25x400xi32, #tpu.memory_space<vmem>> -> memref<1x400xi32, #tpu.memory_space<vmem>>
      %dma_wait3A_145 = tpu.memref_squeeze %dma_wait3A_144 : memref<1x400xi32, #tpu.memory_space<vmem>> -> memref<400xi32, #tpu.memory_space<vmem>>
      %dma_wait3A_146 = arith.constant 0 : i32
      %dma_wait3A_147 = arith.constant 0 : i32
      %dma_wait3A_148 = tpu.memref_slice %arg7[%dma_wait3A_146, %dma_wait3A_147] : memref<10000x32xf32, #tpu.memory_space<vmem_shared>> -> memref<10000x32xf32, #tpu.memory_space<vmem_shared>>
      tpu.wait_indirect_dma semaphore(%arg14 : memref<!tpu.dma_semaphore, #tpu.memory_space<semaphore_mem>>) src(%dma_wait3A_148 : memref<10000x32xf32, #tpu.memory_space<vmem_shared>>) dst(%arg11 : memref<400x32xf32, #tpu.memory_space<vmem>>)
      %dma_wait3A_149 = arith.constant 0 : i32
      %dma_wait3A_150 = tpu.memref_slice %arg6[%add3A_70, %dma_wait3A_149] : memref<25x400xi32, #tpu.memory_space<vmem>> -> memref<1x400xi32, #tpu.memory_space<vmem>>
      %dma_wait3A_151 = tpu.memref_squeeze %dma_wait3A_150 : memref<1x400xi32, #tpu.memory_space<vmem>> -> memref<400xi32, #tpu.memory_space<vmem>>
      %dma_wait3A_152 = arith.constant 0 : i32
      %dma_wait3A_153 = arith.constant 0 : i32
      %dma_wait3A_154 = tpu.memref_slice %arg8[%dma_wait3A_152, %dma_wait3A_153] : memref<10000x32xf32, #tpu.memory_space<vmem_shared>> -> memref<10000x32xf32, #tpu.memory_space<vmem_shared>>
      tpu.wait_indirect_dma semaphore(%arg14 : memref<!tpu.dma_semaphore, #tpu.memory_space<semaphore_mem>>) src(%dma_wait3A_154 : memref<10000x32xf32, #tpu.memory_space<vmem_shared>>) dst(%arg12 : memref<400x32xf32, #tpu.memory_space<vmem>>)
      %mul3A_155 = arith.constant 10000 : i32
      %mul3A_156 = arith.muli %add3A, %mul3A_155 : i32
      %mul3A_157 = arith.constant 400 : i32
      %mul3A_158 = arith.muli %add3A_70, %mul3A_157 : i32
      %add3A_159 = arith.addi %mul3A_156, %mul3A_158 : i32
      %dma_start3A_160 = arith.constant 0 : i32
      %dma_start3A_161 = tpu.memref_slice %arg4[%add3A_159, %dma_start3A_160] : memref<320000x32xf32, #tpu.memory_space<hbm>> -> memref<400x32xf32, #tpu.memory_space<hbm>>
      %dma_start3A_162 = arith.constant 0 : i32
      %dma_start3A_163 = tpu.memref_slice %arg4[%add3A_159, %dma_start3A_162] : memref<320000x32xf32, #tpu.memory_space<hbm>> -> memref<400x32xf32, #tpu.memory_space<hbm>>
      tpu.enqueue_dma source(%arg11 : memref<400x32xf32, #tpu.memory_space<vmem>>) target(%dma_start3A_163 : memref<400x32xf32, #tpu.memory_space<hbm>>) target_semaphore(%arg16 : memref<!tpu.dma_semaphore, #tpu.memory_space<semaphore_mem>>)
      %dma_start3A_164 = arith.constant 0 : i32
      %dma_start3A_165 = tpu.memref_slice %arg5[%add3A_159, %dma_start3A_164] : memref<320000x32xf32, #tpu.memory_space<hbm>> -> memref<400x32xf32, #tpu.memory_space<hbm>>
      %dma_start3A_166 = arith.constant 0 : i32
      %dma_start3A_167 = tpu.memref_slice %arg5[%add3A_159, %dma_start3A_166] : memref<320000x32xf32, #tpu.memory_space<hbm>> -> memref<400x32xf32, #tpu.memory_space<hbm>>
      tpu.enqueue_dma source(%arg12 : memref<400x32xf32, #tpu.memory_space<vmem>>) target(%dma_start3A_167 : memref<400x32xf32, #tpu.memory_space<hbm>>) target_semaphore(%arg16 : memref<!tpu.dma_semaphore, #tpu.memory_space<semaphore_mem>>)
      %mul3A_168 = arith.constant 10000 : i32
      %mul3A_169 = arith.muli %add3A, %mul3A_168 : i32
      %mul3A_170 = arith.constant 400 : i32
      %mul3A_171 = arith.muli %add3A_70, %mul3A_170 : i32
      %add3A_172 = arith.addi %mul3A_169, %mul3A_171 : i32
      %dma_wait3A_173 = arith.constant 0 : i32
      %dma_wait3A_174 = tpu.memref_slice %arg4[%add3A_172, %dma_wait3A_173] : memref<320000x32xf32, #tpu.memory_space<hbm>> -> memref<400x32xf32, #tpu.memory_space<hbm>>
      %dma_wait3A_175 = arith.constant 0 : i32
      %dma_wait3A_176 = tpu.memref_slice %arg4[%add3A_172, %dma_wait3A_175] : memref<320000x32xf32, #tpu.memory_space<hbm>> -> memref<400x32xf32, #tpu.memory_space<hbm>>
      tpu.wait_dma2 semaphore(%arg16 : memref<!tpu.dma_semaphore, #tpu.memory_space<semaphore_mem>>) src(%arg11 : memref<400x32xf32, #tpu.memory_space<vmem>>) dst(%dma_wait3A_176 : memref<400x32xf32, #tpu.memory_space<hbm>>)
      %dma_wait3A_177 = arith.constant 0 : i32
      %dma_wait3A_178 = tpu.memref_slice %arg5[%add3A_172, %dma_wait3A_177] : memref<320000x32xf32, #tpu.memory_space<hbm>> -> memref<400x32xf32, #tpu.memory_space<hbm>>
      %dma_wait3A_179 = arith.constant 0 : i32
      %dma_wait3A_180 = tpu.memref_slice %arg5[%add3A_172, %dma_wait3A_179] : memref<320000x32xf32, #tpu.memory_space<hbm>> -> memref<400x32xf32, #tpu.memory_space<hbm>>
      tpu.wait_dma2 semaphore(%arg16 : memref<!tpu.dma_semaphore, #tpu.memory_space<semaphore_mem>>) src(%arg12 : memref<400x32xf32, #tpu.memory_space<vmem>>) dst(%dma_wait3A_180 : memref<400x32xf32, #tpu.memory_space<hbm>>)
      %scan3A_181 = arith.constant 0 : i32
      scf.yield %scan3A_181 : i32
    }
    %scan3A_27 = arith.constant 12 : i32
    %dma_wait3A = arith.constant 24 : i32
    %dma_wait3A_28 = arith.constant 0 : i32
    %dma_wait3A_29 = tpu.memref_slice %arg6[%dma_wait3A, %dma_wait3A_28] : memref<25x400xi32, #tpu.memory_space<vmem>> -> memref<1x400xi32, #tpu.memory_space<vmem>>
    %dma_wait3A_30 = tpu.memref_squeeze %dma_wait3A_29 : memref<1x400xi32, #tpu.memory_space<vmem>> -> memref<400xi32, #tpu.memory_space<vmem>>
    %dma_wait3A_31 = arith.constant 0 : i32
    %dma_wait3A_32 = arith.constant 0 : i32
    %dma_wait3A_33 = tpu.memref_slice %arg7[%dma_wait3A_31, %dma_wait3A_32] : memref<10000x32xf32, #tpu.memory_space<vmem_shared>> -> memref<10000x32xf32, #tpu.memory_space<vmem_shared>>
    tpu.wait_indirect_dma semaphore(%arg13 : memref<!tpu.dma_semaphore, #tpu.memory_space<semaphore_mem>>) src(%dma_wait3A_33 : memref<10000x32xf32, #tpu.memory_space<vmem_shared>>) dst(%arg9 : memref<400x32xf32, #tpu.memory_space<vmem>>)
    %dma_wait3A_34 = arith.constant 24 : i32
    %dma_wait3A_35 = arith.constant 0 : i32
    %dma_wait3A_36 = tpu.memref_slice %arg6[%dma_wait3A_34, %dma_wait3A_35] : memref<25x400xi32, #tpu.memory_space<vmem>> -> memref<1x400xi32, #tpu.memory_space<vmem>>
    %dma_wait3A_37 = tpu.memref_squeeze %dma_wait3A_36 : memref<1x400xi32, #tpu.memory_space<vmem>> -> memref<400xi32, #tpu.memory_space<vmem>>
    %dma_wait3A_38 = arith.constant 0 : i32
    %dma_wait3A_39 = arith.constant 0 : i32
    %dma_wait3A_40 = tpu.memref_slice %arg8[%dma_wait3A_38, %dma_wait3A_39] : memref<10000x32xf32, #tpu.memory_space<vmem_shared>> -> memref<10000x32xf32, #tpu.memory_space<vmem_shared>>
    tpu.wait_indirect_dma semaphore(%arg13 : memref<!tpu.dma_semaphore, #tpu.memory_space<semaphore_mem>>) src(%dma_wait3A_40 : memref<10000x32xf32, #tpu.memory_space<vmem_shared>>) dst(%arg10 : memref<400x32xf32, #tpu.memory_space<vmem>>)
    %mul3A_41 = arith.constant 10000 : i32
    %mul3A_42 = arith.muli %add3A, %mul3A_41 : i32
    %add3A_43 = arith.constant 9600 : i32
    %add3A_44 = arith.addi %mul3A_42, %add3A_43 : i32
    %dma_start3A_45 = arith.constant 0 : i32
    %dma_start3A_46 = tpu.memref_slice %arg4[%add3A_44, %dma_start3A_45] : memref<320000x32xf32, #tpu.memory_space<hbm>> -> memref<400x32xf32, #tpu.memory_space<hbm>>
    %dma_start3A_47 = arith.constant 0 : i32
    %dma_start3A_48 = tpu.memref_slice %arg4[%add3A_44, %dma_start3A_47] : memref<320000x32xf32, #tpu.memory_space<hbm>> -> memref<400x32xf32, #tpu.memory_space<hbm>>
    tpu.enqueue_dma source(%arg9 : memref<400x32xf32, #tpu.memory_space<vmem>>) target(%dma_start3A_48 : memref<400x32xf32, #tpu.memory_space<hbm>>) target_semaphore(%arg15 : memref<!tpu.dma_semaphore, #tpu.memory_space<semaphore_mem>>)
    %dma_start3A_49 = arith.constant 0 : i32
    %dma_start3A_50 = tpu.memref_slice %arg5[%add3A_44, %dma_start3A_49] : memref<320000x32xf32, #tpu.memory_space<hbm>> -> memref<400x32xf32, #tpu.memory_space<hbm>>
    %dma_start3A_51 = arith.constant 0 : i32
    %dma_start3A_52 = tpu.memref_slice %arg5[%add3A_44, %dma_start3A_51] : memref<320000x32xf32, #tpu.memory_space<hbm>> -> memref<400x32xf32, #tpu.memory_space<hbm>>
    tpu.enqueue_dma source(%arg10 : memref<400x32xf32, #tpu.memory_space<vmem>>) target(%dma_start3A_52 : memref<400x32xf32, #tpu.memory_space<hbm>>) target_semaphore(%arg15 : memref<!tpu.dma_semaphore, #tpu.memory_space<semaphore_mem>>)
    %mul3A_53 = arith.constant 10000 : i32
    %mul3A_54 = arith.muli %add3A, %mul3A_53 : i32
    %add3A_55 = arith.constant 9600 : i32
    %add3A_56 = arith.addi %mul3A_54, %add3A_55 : i32
    %dma_wait3A_57 = arith.constant 0 : i32
    %dma_wait3A_58 = tpu.memref_slice %arg4[%add3A_56, %dma_wait3A_57] : memref<320000x32xf32, #tpu.memory_space<hbm>> -> memref<400x32xf32, #tpu.memory_space<hbm>>
    %dma_wait3A_59 = arith.constant 0 : i32
    %dma_wait3A_60 = tpu.memref_slice %arg4[%add3A_56, %dma_wait3A_59] : memref<320000x32xf32, #tpu.memory_space<hbm>> -> memref<400x32xf32, #tpu.memory_space<hbm>>
    tpu.wait_dma2 semaphore(%arg15 : memref<!tpu.dma_semaphore, #tpu.memory_space<semaphore_mem>>) src(%arg9 : memref<400x32xf32, #tpu.memory_space<vmem>>) dst(%dma_wait3A_60 : memref<400x32xf32, #tpu.memory_space<hbm>>)
    %dma_wait3A_61 = arith.constant 0 : i32
    %dma_wait3A_62 = tpu.memref_slice %arg5[%add3A_56, %dma_wait3A_61] : memref<320000x32xf32, #tpu.memory_space<hbm>> -> memref<400x32xf32, #tpu.memory_space<hbm>>
    %dma_wait3A_63 = arith.constant 0 : i32
    %dma_wait3A_64 = tpu.memref_slice %arg5[%add3A_56, %dma_wait3A_63] : memref<320000x32xf32, #tpu.memory_space<hbm>> -> memref<400x32xf32, #tpu.memory_space<hbm>>
    tpu.wait_dma2 semaphore(%arg15 : memref<!tpu.dma_semaphore, #tpu.memory_space<semaphore_mem>>) src(%arg10 : memref<400x32xf32, #tpu.memory_space<vmem>>) dst(%dma_wait3A_64 : memref<400x32xf32, #tpu.memory_space<hbm>>)
    return
  }
}

module attributes {stable_mosaic.version = 14 : i64} {
  func.func @_k1(%arg0: i32, %arg1: memref<2000x128xf32, #tpu.memory_space<vmem>>, %arg2: memref<128x32xf32, #tpu.memory_space<vmem>>, %arg3: memref<2000x32xf32, #tpu.memory_space<vmem>>, %arg4: memref<8x32xf32, #tpu.memory_space<vmem>>) attributes {dimension_semantics = [#tpu.dimension_semantics<arbitrary>], iteration_bounds = array<i64: 5>, scalar_prefetch = 0 : i64, scratch_operands = 0 : i64, tpu.core_type = #tpu.core_type<tc>, window_params = [{transform_indices = @transform_0, window_bounds = array<i64: 2000, 128>}, {pipeline_mode = #tpu.pipeline_mode<synchronous>, transform_indices = @transform_1, window_bounds = array<i64: 128, 32>}, {transform_indices = @transform_2, window_bounds = array<i64: 2000, 32>}, {pipeline_mode = #tpu.pipeline_mode<synchronous>, transform_indices = @transform_3, window_bounds = array<i64: 8, 32>}]} {
    %get3A = arith.constant 0 : index
    %get3A_0 = arith.constant 0 : index
    %get3A_1 = vector.load %arg1[%get3A, %get3A_0] : memref<2000x128xf32, #tpu.memory_space<vmem>>, vector<2000x128xf32>
    %get3A_2 = arith.constant 0 : index
    %get3A_3 = arith.constant 0 : index
    %get3A_4 = vector.load %arg2[%get3A_2, %get3A_3] : memref<128x32xf32, #tpu.memory_space<vmem>>, vector<128x32xf32>
    %dot_general3A = arith.constant dense<0.000000e+00> : vector<2000x32xf32>
    %dot_general3A_5 = tpu.matmul %get3A_1, %get3A_4, %dot_general3A {dimension_numbers = #tpu.dot_dimension_numbers<[1], [0], [0], [1], [0, 0, 1, 1], [], []>, transpose_lhs_hint = false} : vector<2000x128xf32>, vector<128x32xf32>, vector<2000x32xf32> -> vector<2000x32xf32>
    %swap3A = arith.constant 0 : index
    %swap3A_6 = arith.constant 0 : index
    %swap3A_7 = vector.load %arg3[%swap3A, %swap3A_6] : memref<2000x32xf32, #tpu.memory_space<vmem>>, vector<2000x32xf32>
    tpu.vector_store %arg3[%swap3A, %swap3A_6], %dot_general3A_5 {strides = array<i32>} : memref<2000x32xf32, #tpu.memory_space<vmem>>, vector<2000x32xf32>,
    %reduce_sum3A = arith.constant dense<0.000000e+00> : vector<32xf32>
    %reduce_sum3A_8 = vector.multi_reduction <add>, %dot_general3A_5, %reduce_sum3A [0] : vector<2000x32xf32> to vector<32xf32>
    %broadcast_in_dim3A = vector.shape_cast %reduce_sum3A_8 : vector<32xf32> to vector<1x32xf32>
    %mul3A = arith.mulf %dot_general3A_5, %dot_general3A_5 : vector<2000x32xf32>
    %reduce_sum3A_9 = arith.constant dense<0.000000e+00> : vector<32xf32>
    %reduce_sum3A_10 = vector.multi_reduction <add>, %mul3A, %reduce_sum3A_9 [0] : vector<2000x32xf32> to vector<32xf32>
    %broadcast_in_dim3A_11 = vector.shape_cast %reduce_sum3A_10 : vector<32xf32> to vector<1x32xf32>
    %broadcast_in_dim3A_12 = arith.constant 0.000000e+00 : f32
    %broadcast_in_dim3A_13 = vector.broadcast %broadcast_in_dim3A_12 : f32 to vector<6x32xf32>
    %concatenate3A = tpu.concatenate %broadcast_in_dim3A, %broadcast_in_dim3A_11, %broadcast_in_dim3A_13 in 0 : vector<1x32xf32>, vector<1x32xf32>, vector<6x32xf32> -> vector<8x32xf32>
    %eq3A = arith.constant 0 : i32
    %eq3A_14 = arith.cmpi eq, %arg0, %eq3A : i32
    %convert_element_type3A = arith.extui %eq3A_14 : i1 to i32
    %cond3A = arith.constant 0 : i32
    %cond3A_15 = arith.cmpi ne, %convert_element_type3A, %cond3A : i32
    scf.if %cond3A_15 {
      %broadcast_in_dim3A_22 = arith.constant 0.000000e+00 : f32
      %broadcast_in_dim3A_23 = vector.broadcast %broadcast_in_dim3A_22 : f32 to vector<8x32xf32>
      %swap3A_24 = arith.constant 0 : index
      %swap3A_25 = arith.constant 0 : index
      %swap3A_26 = vector.load %arg4[%swap3A_24, %swap3A_25] : memref<8x32xf32, #tpu.memory_space<vmem>>, vector<8x32xf32>
      tpu.vector_store %arg4[%swap3A_24, %swap3A_25], %broadcast_in_dim3A_23 {strides = array<i32>} : memref<8x32xf32, #tpu.memory_space<vmem>>, vector<8x32xf32>,
    } else {
    }
    %get3A_16 = arith.constant 0 : index
    %get3A_17 = arith.constant 0 : index
    %get3A_18 = vector.load %arg4[%get3A_16, %get3A_17] : memref<8x32xf32, #tpu.memory_space<vmem>>, vector<8x32xf32>
    %add3A = arith.addf %get3A_18, %concatenate3A : vector<8x32xf32>
    %swap3A_19 = arith.constant 0 : index
    %swap3A_20 = arith.constant 0 : index
    %swap3A_21 = vector.load %arg4[%swap3A_19, %swap3A_20] : memref<8x32xf32, #tpu.memory_space<vmem>>, vector<8x32xf32>
    tpu.vector_store %arg4[%swap3A_19, %swap3A_20], %add3A {strides = array<i32>} : memref<8x32xf32, #tpu.memory_space<vmem>>, vector<8x32xf32>,
    return
  }
  func.func @transform_0(%arg0: i32) -> (i32, i32) {
    %c0_i32 = arith.constant 0 : i32
    %c0_i32_0 = arith.constant 0 : i32
    return %arg0, %c0_i32 : i32, i32
  }
  func.func @transform_1(%arg0: i32) -> (i32, i32) {
    %c0_i32 = arith.constant 0 : i32
    %c0_i32_0 = arith.constant 0 : i32
    %c0_i32_1 = arith.constant 0 : i32
    return %c0_i32, %c0_i32_0 : i32, i32
  }
  func.func @transform_2(%arg0: i32) -> (i32, i32) {
    %c0_i32 = arith.constant 0 : i32
    %c0_i32_0 = arith.constant 0 : i32
    return %arg0, %c0_i32 : i32, i32
  }
  func.func @transform_3(%arg0: i32) -> (i32, i32) {
    %c0_i32 = arith.constant 0 : i32
    %c0_i32_0 = arith.constant 0 : i32
    %c0_i32_1 = arith.constant 0 : i32
    return %c0_i32, %c0_i32_0 : i32, i32
  }
}

module attributes {stable_mosaic.version = 14 : i64} {
  func.func @_k2(%arg0: i32, %arg1: memref<2000x32xf32, #tpu.memory_space<vmem>>, %arg2: memref<2000x3xf32, #tpu.memory_space<vmem>>, %arg3: memref<8x32xf32, #tpu.memory_space<vmem>>, %arg4: memref<1x32xf32, #tpu.memory_space<vmem>>, %arg5: memref<1x32xf32, #tpu.memory_space<vmem>>, %arg6: memref<2000x64xf32, #tpu.memory_space<vmem>>) attributes {dimension_semantics = [#tpu.dimension_semantics<arbitrary>], iteration_bounds = array<i64: 5>, scalar_prefetch = 0 : i64, scratch_operands = 0 : i64, tpu.core_type = #tpu.core_type<tc>, window_params = [{transform_indices = @transform_0, window_bounds = array<i64: 2000, 32>}, {transform_indices = @transform_1, window_bounds = array<i64: 2000, 3>}, {pipeline_mode = #tpu.pipeline_mode<synchronous>, transform_indices = @transform_2, window_bounds = array<i64: 8, 32>}, {pipeline_mode = #tpu.pipeline_mode<synchronous>, transform_indices = @transform_3, window_bounds = array<i64: 1, 32>}, {pipeline_mode = #tpu.pipeline_mode<synchronous>, transform_indices = @transform_4, window_bounds = array<i64: 1, 32>}, {transform_indices = @transform_5, window_bounds = array<i64: 2000, 64>}]} {
    %get3A = arith.constant 0 : index
    %get3A_0 = arith.constant 0 : index
    %get3A_1 = vector.load %arg3[%get3A, %get3A_0] : memref<8x32xf32, #tpu.memory_space<vmem>>, vector<1x32xf32>
    %mul3A = arith.constant 9.99999974E-5 : f32
    %mul3A_2 = vector.broadcast %mul3A : f32 to vector<1x32xf32>
    %mul3A_3 = arith.mulf %get3A_1, %mul3A_2 : vector<1x32xf32>
    %get3A_4 = arith.constant 1 : index
    %get3A_5 = arith.constant 0 : index
    %get3A_6 = vector.load %arg3[%get3A_4, %get3A_5] : memref<8x32xf32, #tpu.memory_space<vmem>>, vector<1x32xf32>
    %mul3A_7 = arith.constant 9.99999974E-5 : f32
    %mul3A_8 = vector.broadcast %mul3A_7 : f32 to vector<1x32xf32>
    %mul3A_9 = arith.mulf %get3A_6, %mul3A_8 : vector<1x32xf32>
    %mul3A_10 = arith.mulf %mul3A_3, %mul3A_3 : vector<1x32xf32>
    %sub3A = arith.subf %mul3A_9, %mul3A_10 : vector<1x32xf32>
    %get3A_11 = arith.constant 0 : index
    %get3A_12 = arith.constant 0 : index
    %get3A_13 = vector.load %arg4[%get3A_11, %get3A_12] : memref<1x32xf32, #tpu.memory_space<vmem>>, vector<1x32xf32>
    %add3A = arith.constant 9.99999974E-6 : f32
    %add3A_14 = vector.broadcast %add3A : f32 to vector<1x32xf32>
    %add3A_15 = arith.addf %sub3A, %add3A_14 : vector<1x32xf32>
    %sqrt3A = math.sqrt %add3A_15 : vector<1x32xf32>
    %div3A = arith.divf %get3A_13, %sqrt3A : vector<1x32xf32>
    %get3A_16 = arith.constant 0 : index
    %get3A_17 = arith.constant 0 : index
    %get3A_18 = vector.load %arg5[%get3A_16, %get3A_17] : memref<1x32xf32, #tpu.memory_space<vmem>>, vector<1x32xf32>
    %mul3A_19 = arith.mulf %mul3A_3, %div3A : vector<1x32xf32>
    %sub3A_20 = arith.subf %get3A_18, %mul3A_19 : vector<1x32xf32>
    %get3A_21 = arith.constant 0 : index
    %get3A_22 = arith.constant 0 : index
    %get3A_23 = vector.load %arg1[%get3A_21, %get3A_22] : memref<2000x32xf32, #tpu.memory_space<vmem>>, vector<2000x32xf32>
    %mul3A_24 = vector.broadcast %div3A : vector<1x32xf32> to vector<2000x32xf32>
    %mul3A_25 = arith.mulf %get3A_23, %mul3A_24 : vector<2000x32xf32>
    %add3A_26 = vector.broadcast %sub3A_20 : vector<1x32xf32> to vector<2000x32xf32>
    %add3A_27 = arith.addf %mul3A_25, %add3A_26 : vector<2000x32xf32>
    %ge3A = arith.constant 0.000000e+00 : f32
    %ge3A_28 = vector.broadcast %ge3A : f32 to vector<2000x32xf32>
    %ge3A_29 = arith.cmpf oge, %add3A_27, %ge3A_28 : vector<2000x32xf32>
    %mul3A_30 = arith.constant 1.000000e-01 : f32
    %mul3A_31 = vector.broadcast %mul3A_30 : f32 to vector<2000x32xf32>
    %mul3A_32 = arith.mulf %mul3A_31, %add3A_27 : vector<2000x32xf32>
    %select_n3A = arith.select %ge3A_29, %add3A_27, %mul3A_32 : vector<2000x32xi1>, vector<2000x32xf32>
    %get3A_33 = arith.constant 0 : index
    %get3A_34 = arith.constant 0 : index
    %get3A_35 = vector.load %arg2[%get3A_33, %get3A_34] : memref<2000x3xf32, #tpu.memory_space<vmem>>, vector<2000x3xf32>
    %broadcast_in_dim3A = arith.constant 0.000000e+00 : f32
    %broadcast_in_dim3A_36 = vector.broadcast %broadcast_in_dim3A : f32 to vector<2000x29xf32>
    %concatenate3A = tpu.concatenate %select_n3A, %get3A_35, %broadcast_in_dim3A_36 in 1 : vector<2000x32xf32>, vector<2000x3xf32>, vector<2000x29xf32> -> vector<2000x64xf32>
    %swap3A = arith.constant 0 : index
    %swap3A_37 = arith.constant 0 : index
    %swap3A_38 = vector.load %arg6[%swap3A, %swap3A_37] : memref<2000x64xf32, #tpu.memory_space<vmem>>, vector<2000x64xf32>
    tpu.vector_store %arg6[%swap3A, %swap3A_37], %concatenate3A {strides = array<i32>} : memref<2000x64xf32, #tpu.memory_space<vmem>>, vector<2000x64xf32>,
    return
  }
  func.func @transform_0(%arg0: i32) -> (i32, i32) {
    %c0_i32 = arith.constant 0 : i32
    %c0_i32_0 = arith.constant 0 : i32
    return %arg0, %c0_i32 : i32, i32
  }
  func.func @transform_1(%arg0: i32) -> (i32, i32) {
    %c0_i32 = arith.constant 0 : i32
    %c0_i32_0 = arith.constant 0 : i32
    return %arg0, %c0_i32 : i32, i32
  }
  func.func @transform_2(%arg0: i32) -> (i32, i32) {
    %c0_i32 = arith.constant 0 : i32
    %c0_i32_0 = arith.constant 0 : i32
    %c0_i32_1 = arith.constant 0 : i32
    return %c0_i32, %c0_i32_0 : i32, i32
  }
  func.func @transform_3(%arg0: i32) -> (i32, i32) {
    %c0_i32 = arith.constant 0 : i32
    %c0_i32_0 = arith.constant 0 : i32
    %c0_i32_1 = arith.constant 0 : i32
    return %c0_i32, %c0_i32_0 : i32, i32
  }
  func.func @transform_4(%arg0: i32) -> (i32, i32) {
    %c0_i32 = arith.constant 0 : i32
    %c0_i32_0 = arith.constant 0 : i32
    %c0_i32_1 = arith.constant 0 : i32
    return %c0_i32, %c0_i32_0 : i32, i32
  }
  func.func @transform_5(%arg0: i32) -> (i32, i32) {
    %c0_i32 = arith.constant 0 : i32
    %c0_i32_0 = arith.constant 0 : i32
    return %arg0, %c0_i32 : i32, i32
  }
}

module attributes {stable_mosaic.version = 14 : i64} {
  func.func @_k4(%arg0: i32, %arg1: memref<2000x32xf32, #tpu.memory_space<vmem>>, %arg2: memref<8x32xf32, #tpu.memory_space<vmem>>, %arg3: memref<1x32xf32, #tpu.memory_space<vmem>>, %arg4: memref<1x32xf32, #tpu.memory_space<vmem>>, %arg5: memref<32x128xf32, #tpu.memory_space<vmem>>, %arg6: memref<2000x128xf32, #tpu.memory_space<vmem>>, %arg7: memref<8x128xf32, #tpu.memory_space<vmem>>) attributes {dimension_semantics = [#tpu.dimension_semantics<arbitrary>], iteration_bounds = array<i64: 5>, scalar_prefetch = 0 : i64, scratch_operands = 0 : i64, tpu.core_type = #tpu.core_type<tc>, window_params = [{transform_indices = @transform_0, window_bounds = array<i64: 2000, 32>}, {pipeline_mode = #tpu.pipeline_mode<synchronous>, transform_indices = @transform_1, window_bounds = array<i64: 8, 32>}, {pipeline_mode = #tpu.pipeline_mode<synchronous>, transform_indices = @transform_2, window_bounds = array<i64: 1, 32>}, {pipeline_mode = #tpu.pipeline_mode<synchronous>, transform_indices = @transform_3, window_bounds = array<i64: 1, 32>}, {pipeline_mode = #tpu.pipeline_mode<synchronous>, transform_indices = @transform_4, window_bounds = array<i64: 32, 128>}, {transform_indices = @transform_5, window_bounds = array<i64: 2000, 128>}, {pipeline_mode = #tpu.pipeline_mode<synchronous>, transform_indices = @transform_6, window_bounds = array<i64: 8, 128>}]} {
    %get3A = arith.constant 0 : index
    %get3A_0 = arith.constant 0 : index
    %get3A_1 = vector.load %arg2[%get3A, %get3A_0] : memref<8x32xf32, #tpu.memory_space<vmem>>, vector<1x32xf32>
    %mul3A = arith.constant 9.99999974E-5 : f32
    %mul3A_2 = vector.broadcast %mul3A : f32 to vector<1x32xf32>
    %mul3A_3 = arith.mulf %get3A_1, %mul3A_2 : vector<1x32xf32>
    %get3A_4 = arith.constant 1 : index
    %get3A_5 = arith.constant 0 : index
    %get3A_6 = vector.load %arg2[%get3A_4, %get3A_5] : memref<8x32xf32, #tpu.memory_space<vmem>>, vector<1x32xf32>
    %mul3A_7 = arith.constant 9.99999974E-5 : f32
    %mul3A_8 = vector.broadcast %mul3A_7 : f32 to vector<1x32xf32>
    %mul3A_9 = arith.mulf %get3A_6, %mul3A_8 : vector<1x32xf32>
    %mul3A_10 = arith.mulf %mul3A_3, %mul3A_3 : vector<1x32xf32>
    %sub3A = arith.subf %mul3A_9, %mul3A_10 : vector<1x32xf32>
    %get3A_11 = arith.constant 0 : index
    %get3A_12 = arith.constant 0 : index
    %get3A_13 = vector.load %arg3[%get3A_11, %get3A_12] : memref<1x32xf32, #tpu.memory_space<vmem>>, vector<1x32xf32>
    %add3A = arith.constant 9.99999974E-6 : f32
    %add3A_14 = vector.broadcast %add3A : f32 to vector<1x32xf32>
    %add3A_15 = arith.addf %sub3A, %add3A_14 : vector<1x32xf32>
    %sqrt3A = math.sqrt %add3A_15 : vector<1x32xf32>
    %div3A = arith.divf %get3A_13, %sqrt3A : vector<1x32xf32>
    %get3A_16 = arith.constant 0 : index
    %get3A_17 = arith.constant 0 : index
    %get3A_18 = vector.load %arg4[%get3A_16, %get3A_17] : memref<1x32xf32, #tpu.memory_space<vmem>>, vector<1x32xf32>
    %mul3A_19 = arith.mulf %mul3A_3, %div3A : vector<1x32xf32>
    %sub3A_20 = arith.subf %get3A_18, %mul3A_19 : vector<1x32xf32>
    %get3A_21 = arith.constant 0 : index
    %get3A_22 = arith.constant 0 : index
    %get3A_23 = vector.load %arg1[%get3A_21, %get3A_22] : memref<2000x32xf32, #tpu.memory_space<vmem>>, vector<2000x32xf32>
    %mul3A_24 = vector.broadcast %div3A : vector<1x32xf32> to vector<2000x32xf32>
    %mul3A_25 = arith.mulf %get3A_23, %mul3A_24 : vector<2000x32xf32>
    %add3A_26 = vector.broadcast %sub3A_20 : vector<1x32xf32> to vector<2000x32xf32>
    %add3A_27 = arith.addf %mul3A_25, %add3A_26 : vector<2000x32xf32>
    %ge3A = arith.constant 0.000000e+00 : f32
    %ge3A_28 = vector.broadcast %ge3A : f32 to vector<2000x32xf32>
    %ge3A_29 = arith.cmpf oge, %add3A_27, %ge3A_28 : vector<2000x32xf32>
    %mul3A_30 = arith.constant 1.000000e-01 : f32
    %mul3A_31 = vector.broadcast %mul3A_30 : f32 to vector<2000x32xf32>
    %mul3A_32 = arith.mulf %mul3A_31, %add3A_27 : vector<2000x32xf32>
    %select_n3A = arith.select %ge3A_29, %add3A_27, %mul3A_32 : vector<2000x32xi1>, vector<2000x32xf32>
    %get3A_33 = arith.constant 0 : index
    %get3A_34 = arith.constant 0 : index
    %get3A_35 = vector.load %arg5[%get3A_33, %get3A_34] : memref<32x128xf32, #tpu.memory_space<vmem>>, vector<32x128xf32>
    %dot_general3A = arith.constant dense<0.000000e+00> : vector<2000x128xf32>
    %dot_general3A_36 = tpu.matmul %select_n3A, %get3A_35, %dot_general3A {dimension_numbers = #tpu.dot_dimension_numbers<[1], [0], [0], [1], [0, 0, 1, 1], [], []>, transpose_lhs_hint = false} : vector<2000x32xf32>, vector<32x128xf32>, vector<2000x128xf32> -> vector<2000x128xf32>
    %swap3A = arith.constant 0 : index
    %swap3A_37 = arith.constant 0 : index
    %swap3A_38 = vector.load %arg6[%swap3A, %swap3A_37] : memref<2000x128xf32, #tpu.memory_space<vmem>>, vector<2000x128xf32>
    tpu.vector_store %arg6[%swap3A, %swap3A_37], %dot_general3A_36 {strides = array<i32>} : memref<2000x128xf32, #tpu.memory_space<vmem>>, vector<2000x128xf32>,
    %reduce_sum3A = arith.constant dense<0.000000e+00> : vector<128xf32>
    %reduce_sum3A_39 = vector.multi_reduction <add>, %dot_general3A_36, %reduce_sum3A [0] : vector<2000x128xf32> to vector<128xf32>
    %broadcast_in_dim3A = vector.shape_cast %reduce_sum3A_39 : vector<128xf32> to vector<1x128xf32>
    %mul3A_40 = arith.mulf %dot_general3A_36, %dot_general3A_36 : vector<2000x128xf32>
    %reduce_sum3A_41 = arith.constant dense<0.000000e+00> : vector<128xf32>
    %reduce_sum3A_42 = vector.multi_reduction <add>, %mul3A_40, %reduce_sum3A_41 [0] : vector<2000x128xf32> to vector<128xf32>
    %broadcast_in_dim3A_43 = vector.shape_cast %reduce_sum3A_42 : vector<128xf32> to vector<1x128xf32>
    %broadcast_in_dim3A_44 = arith.constant 0.000000e+00 : f32
    %broadcast_in_dim3A_45 = vector.broadcast %broadcast_in_dim3A_44 : f32 to vector<6x128xf32>
    %concatenate3A = tpu.concatenate %broadcast_in_dim3A, %broadcast_in_dim3A_43, %broadcast_in_dim3A_45 in 0 : vector<1x128xf32>, vector<1x128xf32>, vector<6x128xf32> -> vector<8x128xf32>
    %eq3A = arith.constant 0 : i32
    %eq3A_46 = arith.cmpi eq, %arg0, %eq3A : i32
    %convert_element_type3A = arith.extui %eq3A_46 : i1 to i32
    %cond3A = arith.constant 0 : i32
    %cond3A_47 = arith.cmpi ne, %convert_element_type3A, %cond3A : i32
    scf.if %cond3A_47 {
      %broadcast_in_dim3A_55 = arith.constant 0.000000e+00 : f32
      %broadcast_in_dim3A_56 = vector.broadcast %broadcast_in_dim3A_55 : f32 to vector<8x128xf32>
      %swap3A_57 = arith.constant 0 : index
      %swap3A_58 = arith.constant 0 : index
      %swap3A_59 = vector.load %arg7[%swap3A_57, %swap3A_58] : memref<8x128xf32, #tpu.memory_space<vmem>>, vector<8x128xf32>
      tpu.vector_store %arg7[%swap3A_57, %swap3A_58], %broadcast_in_dim3A_56 {strides = array<i32>} : memref<8x128xf32, #tpu.memory_space<vmem>>, vector<8x128xf32>,
    } else {
    }
    %get3A_48 = arith.constant 0 : index
    %get3A_49 = arith.constant 0 : index
    %get3A_50 = vector.load %arg7[%get3A_48, %get3A_49] : memref<8x128xf32, #tpu.memory_space<vmem>>, vector<8x128xf32>
    %add3A_51 = arith.addf %get3A_50, %concatenate3A : vector<8x128xf32>
    %swap3A_52 = arith.constant 0 : index
    %swap3A_53 = arith.constant 0 : index
    %swap3A_54 = vector.load %arg7[%swap3A_52, %swap3A_53] : memref<8x128xf32, #tpu.memory_space<vmem>>, vector<8x128xf32>
    tpu.vector_store %arg7[%swap3A_52, %swap3A_53], %add3A_51 {strides = array<i32>} : memref<8x128xf32, #tpu.memory_space<vmem>>, vector<8x128xf32>,
    return
  }
  func.func @transform_0(%arg0: i32) -> (i32, i32) {
    %c0_i32 = arith.constant 0 : i32
    %c0_i32_0 = arith.constant 0 : i32
    return %arg0, %c0_i32 : i32, i32
  }
  func.func @transform_1(%arg0: i32) -> (i32, i32) {
    %c0_i32 = arith.constant 0 : i32
    %c0_i32_0 = arith.constant 0 : i32
    %c0_i32_1 = arith.constant 0 : i32
    return %c0_i32, %c0_i32_0 : i32, i32
  }
  func.func @transform_2(%arg0: i32) -> (i32, i32) {
    %c0_i32 = arith.constant 0 : i32
    %c0_i32_0 = arith.constant 0 : i32
    %c0_i32_1 = arith.constant 0 : i32
    return %c0_i32, %c0_i32_0 : i32, i32
  }
  func.func @transform_3(%arg0: i32) -> (i32, i32) {
    %c0_i32 = arith.constant 0 : i32
    %c0_i32_0 = arith.constant 0 : i32
    %c0_i32_1 = arith.constant 0 : i32
    return %c0_i32, %c0_i32_0 : i32, i32
  }
  func.func @transform_4(%arg0: i32) -> (i32, i32) {
    %c0_i32 = arith.constant 0 : i32
    %c0_i32_0 = arith.constant 0 : i32
    %c0_i32_1 = arith.constant 0 : i32
    return %c0_i32, %c0_i32_0 : i32, i32
  }
  func.func @transform_5(%arg0: i32) -> (i32, i32) {
    %c0_i32 = arith.constant 0 : i32
    %c0_i32_0 = arith.constant 0 : i32
    return %arg0, %c0_i32 : i32, i32
  }
  func.func @transform_6(%arg0: i32) -> (i32, i32) {
    %c0_i32 = arith.constant 0 : i32
    %c0_i32_0 = arith.constant 0 : i32
    %c0_i32_1 = arith.constant 0 : i32
    return %c0_i32, %c0_i32_0 : i32, i32
  }
}

module attributes {stable_mosaic.version = 14 : i64} {
  func.func @_k3(%arg0: i32, %arg1: memref<8000x128xf32, #tpu.memory_space<vmem>>, %arg2: memref<8000x128xf32, #tpu.memory_space<vmem>>, %arg3: memref<1000x3xf32, #tpu.memory_space<vmem>>, %arg4: memref<1x128xf32, #tpu.memory_space<vmem>>, %arg5: memref<128x128xf32, #tpu.memory_space<vmem>>, %arg6: memref<128x128xf32, #tpu.memory_space<vmem>>, %arg7: memref<32x8xf32, #tpu.memory_space<vmem>>, %arg8: memref<1x8xf32, #tpu.memory_space<vmem>>, %arg9: memref<8x16xf32, #tpu.memory_space<vmem>>, %arg10: memref<1x16xf32, #tpu.memory_space<vmem>>, %arg11: memref<8x16xf32, #tpu.memory_space<vmem>>, %arg12: memref<1x16xf32, #tpu.memory_space<vmem>>, %arg13: memref<128x128xf32, #tpu.memory_space<vmem>>, %arg14: memref<128x32xf32, #tpu.memory_space<vmem>>, %arg15: memref<1000x32xf32, #tpu.memory_space<vmem>>, %arg16: memref<8x32xf32, #tpu.memory_space<vmem>>) attributes {dimension_semantics = [#tpu.dimension_semantics<arbitrary>], iteration_bounds = array<i64: 10>, scalar_prefetch = 0 : i64, scratch_operands = 0 : i64, tpu.core_type = #tpu.core_type<tc>, window_params = [{transform_indices = @transform_0, window_bounds = array<i64: 8000, 128>}, {transform_indices = @transform_1, window_bounds = array<i64: 8000, 128>}, {transform_indices = @transform_2, window_bounds = array<i64: 1000, 3>}, {pipeline_mode = #tpu.pipeline_mode<synchronous>, transform_indices = @transform_3, window_bounds = array<i64: 1, 128>}, {pipeline_mode = #tpu.pipeline_mode<synchronous>, transform_indices = @transform_4, window_bounds = array<i64: 128, 128>}, {pipeline_mode = #tpu.pipeline_mode<synchronous>, transform_indices = @transform_5, window_bounds = array<i64: 128, 128>}, {pipeline_mode = #tpu.pipeline_mode<synchronous>, transform_indices = @transform_6, window_bounds = array<i64: 32, 8>}, {pipeline_mode = #tpu.pipeline_mode<synchronous>, transform_indices = @transform_7, window_bounds = array<i64: 1, 8>}, {pipeline_mode = #tpu.pipeline_mode<synchronous>, transform_indices = @transform_8, window_bounds = array<i64: 8, 16>}, {pipeline_mode = #tpu.pipeline_mode<synchronous>, transform_indices = @transform_9, window_bounds = array<i64: 1, 16>}, {pipeline_mode = #tpu.pipeline_mode<synchronous>, transform_indices = @transform_10, window_bounds = array<i64: 8, 16>}, {pipeline_mode = #tpu.pipeline_mode<synchronous>, transform_indices = @transform_11, window_bounds = array<i64: 1, 16>}, {pipeline_mode = #tpu.pipeline_mode<synchronous>, transform_indices = @transform_12, window_bounds = array<i64: 128, 128>}, {pipeline_mode = #tpu.pipeline_mode<synchronous>, transform_indices = @transform_13, window_bounds = array<i64: 128, 32>}, {transform_indices = @transform_14, window_bounds = array<i64: 1000, 32>}, {pipeline_mode = #tpu.pipeline_mode<synchronous>, transform_indices = @transform_15, window_bounds = array<i64: 8, 32>}]} {
    %get3A = arith.constant 0 : index
    %get3A_0 = arith.constant 0 : index
    %get3A_1 = vector.load %arg1[%get3A, %get3A_0] : memref<8000x128xf32, #tpu.memory_space<vmem>>, vector<8000x128xf32>
    %reshape3A = vector.shape_cast %get3A_1 : vector<8000x128xf32> to vector<1000x8x128xf32>
    %get3A_2 = arith.constant 0 : index
    %get3A_3 = arith.constant 0 : index
    %get3A_4 = vector.load %arg3[%get3A_2, %get3A_3] : memref<1000x3xf32, #tpu.memory_space<vmem>>, vector<1000x3xf32>
    %broadcast_in_dim3A = arith.constant 0.000000e+00 : f32
    %broadcast_in_dim3A_5 = vector.broadcast %broadcast_in_dim3A : f32 to vector<1000x29xf32>
    %concatenate3A = tpu.concatenate %get3A_4, %broadcast_in_dim3A_5 in 1 : vector<1000x3xf32>, vector<1000x29xf32> -> vector<1000x32xf32>
    %tile3A = tpu.concatenate %concatenate3A, %concatenate3A, %concatenate3A, %concatenate3A in 1 : vector<1000x32xf32>, vector<1000x32xf32>, vector<1000x32xf32>, vector<1000x32xf32> -> vector<1000x128xf32>
    %get3A_6 = arith.constant 0 : index
    %get3A_7 = arith.constant 0 : index
    %get3A_8 = vector.load %arg2[%get3A_6, %get3A_7] : memref<8000x128xf32, #tpu.memory_space<vmem>>, vector<8000x128xf32>
    %reshape3A_9 = vector.shape_cast %get3A_8 : vector<8000x128xf32> to vector<1000x8x128xf32>
    %broadcast_in_dim3A_10 = vector.shape_cast %tile3A : vector<1000x128xf32> to vector<1000x1x128xf32>
    %sub3A = vector.broadcast %broadcast_in_dim3A_10 : vector<1000x1x128xf32> to vector<1000x8x128xf32>
    %sub3A_11 = arith.subf %reshape3A_9, %sub3A : vector<1000x8x128xf32>
    %reshape3A_12 = vector.shape_cast %sub3A_11 : vector<1000x8x128xf32> to vector<8000x128xf32>
    %get3A_13 = arith.constant 0 : index
    %get3A_14 = arith.constant 0 : index
    %get3A_15 = vector.load %arg5[%get3A_13, %get3A_14] : memref<128x128xf32, #tpu.memory_space<vmem>>, vector<128x128xf32>
    %dot_general3A = arith.constant dense<0.000000e+00> : vector<8000x128xf32>
    %dot_general3A_16 = tpu.matmul %reshape3A_12, %get3A_15, %dot_general3A {dimension_numbers = #tpu.dot_dimension_numbers<[1], [0], [0], [1], [0, 0, 1, 1], [], []>, transpose_lhs_hint = false} : vector<8000x128xf32>, vector<128x128xf32>, vector<8000x128xf32> -> vector<8000x128xf32>
    %mul3A = arith.mulf %sub3A_11, %sub3A_11 : vector<1000x8x128xf32>
    %reshape3A_17 = vector.shape_cast %mul3A : vector<1000x8x128xf32> to vector<8000x128xf32>
    %get3A_18 = arith.constant 0 : index
    %get3A_19 = arith.constant 0 : index
    %get3A_20 = vector.load %arg6[%get3A_18, %get3A_19] : memref<128x128xf32, #tpu.memory_space<vmem>>, vector<128x128xf32>
    %dot_general3A_21 = arith.constant dense<0.000000e+00> : vector<8000x128xf32>
    %dot_general3A_22 = tpu.matmul %reshape3A_17, %get3A_20, %dot_general3A_21 {dimension_numbers = #tpu.dot_dimension_numbers<[1], [0], [0], [1], [0, 0, 1, 1], [], []>, transpose_lhs_hint = false} : vector<8000x128xf32>, vector<128x128xf32>, vector<8000x128xf32> -> vector<8000x128xf32>
    %add3A = arith.addf %dot_general3A_22, %dot_general3A_16 : vector<8000x128xf32>
    %get3A_23 = arith.constant 0 : index
    %get3A_24 = arith.constant 0 : index
    %get3A_25 = vector.load %arg4[%get3A_23, %get3A_24] : memref<1x128xf32, #tpu.memory_space<vmem>>, vector<1x128xf32>
    %add3A_26 = vector.broadcast %get3A_25 : vector<1x128xf32> to vector<8000x128xf32>
    %add3A_27 = arith.addf %add3A, %add3A_26 : vector<8000x128xf32>
    %max3A = arith.constant 0.000000e+00 : f32
    %max3A_28 = vector.broadcast %max3A : f32 to vector<8000x128xf32>
    %max3A_29 = arith.maximumf %add3A_27, %max3A_28 : vector<8000x128xf32>
    %sqrt3A = math.sqrt %max3A_29 : vector<8000x128xf32>
    %mul3A_30 = arith.constant 1.000000e+00 : f32
    %mul3A_31 = vector.broadcast %mul3A_30 : f32 to vector<8000x128xf32>
    %mul3A_32 = arith.mulf %sqrt3A, %mul3A_31 : vector<8000x128xf32>
    %sub3A_33 = arith.constant 1.000000e+00 : f32
    %sub3A_34 = vector.broadcast %sub3A_33 : f32 to vector<8000x128xf32>
    %sub3A_35 = arith.subf %sub3A_34, %mul3A_32 : vector<8000x128xf32>
    %max3A_36 = arith.constant 0.000000e+00 : f32
    %max3A_37 = vector.broadcast %max3A_36 : f32 to vector<8000x128xf32>
    %max3A_38 = arith.maximumf %sub3A_35, %max3A_37 : vector<8000x128xf32>
    %reshape3A_39 = vector.shape_cast %max3A_38 : vector<8000x128xf32> to vector<1000x8x128xf32>
    %slice3A = vector.extract_strided_slice %reshape3A {offsets = [0, 0, 0], sizes = [1000, 1, 32], strides = [1, 1, 1]} : vector<1000x8x128xf32> to vector<1000x1x32xf32>
    %squeeze3A = vector.shape_cast %slice3A : vector<1000x1x32xf32> to vector<1000x32xf32>
    %get3A_40 = arith.constant 0 : index
    %get3A_41 = arith.constant 0 : index
    %get3A_42 = vector.load %arg7[%get3A_40, %get3A_41] : memref<32x8xf32, #tpu.memory_space<vmem>>, vector<32x8xf32>
    %dot_general3A_43 = arith.constant dense<0.000000e+00> : vector<1000x8xf32>
    %dot_general3A_44 = tpu.matmul %squeeze3A, %get3A_42, %dot_general3A_43 {dimension_numbers = #tpu.dot_dimension_numbers<[1], [0], [0], [1], [0, 0, 1, 1], [], []>, transpose_lhs_hint = false} : vector<1000x32xf32>, vector<32x8xf32>, vector<1000x8xf32> -> vector<1000x8xf32>
    %get3A_45 = arith.constant 0 : index
    %get3A_46 = arith.constant 0 : index
    %get3A_47 = vector.load %arg8[%get3A_45, %get3A_46] : memref<1x8xf32, #tpu.memory_space<vmem>>, vector<1x8xf32>
    %add3A_48 = vector.broadcast %get3A_47 : vector<1x8xf32> to vector<1000x8xf32>
    %add3A_49 = arith.addf %dot_general3A_44, %add3A_48 : vector<1000x8xf32>
    %ge3A = arith.constant 0.000000e+00 : f32
    %ge3A_50 = vector.broadcast %ge3A : f32 to vector<1000x8xf32>
    %ge3A_51 = arith.cmpf oge, %add3A_49, %ge3A_50 : vector<1000x8xf32>
    %mul3A_52 = arith.constant 1.000000e-01 : f32
    %mul3A_53 = vector.broadcast %mul3A_52 : f32 to vector<1000x8xf32>
    %mul3A_54 = arith.mulf %mul3A_53, %add3A_49 : vector<1000x8xf32>
    %select_n3A = arith.select %ge3A_51, %add3A_49, %mul3A_54 : vector<1000x8xi1>, vector<1000x8xf32>
    %get3A_55 = arith.constant 0 : index
    %get3A_56 = arith.constant 0 : index
    %get3A_57 = vector.load %arg9[%get3A_55, %get3A_56] : memref<8x16xf32, #tpu.memory_space<vmem>>, vector<8x16xf32>
    %dot_general3A_58 = arith.constant dense<0.000000e+00> : vector<1000x16xf32>
    %dot_general3A_59 = tpu.matmul %select_n3A, %get3A_57, %dot_general3A_58 {dimension_numbers = #tpu.dot_dimension_numbers<[1], [0], [0], [1], [0, 0, 1, 1], [], []>, transpose_lhs_hint = false} : vector<1000x8xf32>, vector<8x16xf32>, vector<1000x16xf32> -> vector<1000x16xf32>
    %get3A_60 = arith.constant 0 : index
    %get3A_61 = arith.constant 0 : index
    %get3A_62 = vector.load %arg10[%get3A_60, %get3A_61] : memref<1x16xf32, #tpu.memory_space<vmem>>, vector<1x16xf32>
    %add3A_63 = vector.broadcast %get3A_62 : vector<1x16xf32> to vector<1000x16xf32>
    %add3A_64 = arith.addf %dot_general3A_59, %add3A_63 : vector<1000x16xf32>
    %get3A_65 = arith.constant 0 : index
    %get3A_66 = arith.constant 0 : index
    %get3A_67 = vector.load %arg11[%get3A_65, %get3A_66] : memref<8x16xf32, #tpu.memory_space<vmem>>, vector<8x16xf32>
    %dot_general3A_68 = arith.constant dense<0.000000e+00> : vector<1000x16xf32>
    %dot_general3A_69 = tpu.matmul %select_n3A, %get3A_67, %dot_general3A_68 {dimension_numbers = #tpu.dot_dimension_numbers<[1], [0], [0], [1], [0, 0, 1, 1], [], []>, transpose_lhs_hint = false} : vector<1000x8xf32>, vector<8x16xf32>, vector<1000x16xf32> -> vector<1000x16xf32>
    %get3A_70 = arith.constant 0 : index
    %get3A_71 = arith.constant 0 : index
    %get3A_72 = vector.load %arg12[%get3A_70, %get3A_71] : memref<1x16xf32, #tpu.memory_space<vmem>>, vector<1x16xf32>
    %add3A_73 = vector.broadcast %get3A_72 : vector<1x16xf32> to vector<1000x16xf32>
    %add3A_74 = arith.addf %dot_general3A_69, %add3A_73 : vector<1000x16xf32>
    %concatenate3A_75 = tpu.concatenate %add3A_64, %add3A_74 in 1 : vector<1000x16xf32>, vector<1000x16xf32> -> vector<1000x32xf32>
    %tile3A_76 = tpu.concatenate %concatenate3A_75, %concatenate3A_75, %concatenate3A_75, %concatenate3A_75 in 1 : vector<1000x32xf32>, vector<1000x32xf32>, vector<1000x32xf32>, vector<1000x32xf32> -> vector<1000x128xf32>
    %broadcast_in_dim3A_77 = vector.shape_cast %tile3A_76 : vector<1000x128xf32> to vector<1000x1x128xf32>
    %mul3A_78 = vector.broadcast %broadcast_in_dim3A_77 : vector<1000x1x128xf32> to vector<1000x8x128xf32>
    %mul3A_79 = arith.mulf %reshape3A_39, %mul3A_78 : vector<1000x8x128xf32>
    %reshape3A_80 = vector.shape_cast %mul3A_79 : vector<1000x8x128xf32> to vector<8000x128xf32>
    %get3A_81 = arith.constant 0 : index
    %get3A_82 = arith.constant 0 : index
    %get3A_83 = vector.load %arg13[%get3A_81, %get3A_82] : memref<128x128xf32, #tpu.memory_space<vmem>>, vector<128x128xf32>
    %dot_general3A_84 = arith.constant dense<0.000000e+00> : vector<8000x128xf32>
    %dot_general3A_85 = tpu.matmul %reshape3A_80, %get3A_83, %dot_general3A_84 {dimension_numbers = #tpu.dot_dimension_numbers<[1], [0], [0], [1], [0, 0, 1, 1], [], []>, transpose_lhs_hint = false} : vector<8000x128xf32>, vector<128x128xf32>, vector<8000x128xf32> -> vector<8000x128xf32>
    %reshape3A_86 = vector.shape_cast %dot_general3A_85 : vector<8000x128xf32> to vector<1000x8x128xf32>
    %mul3A_87 = arith.mulf %reshape3A, %reshape3A_86 : vector<1000x8x128xf32>
    %reduce_sum3A = arith.constant dense<0.000000e+00> : vector<1000x128xf32>
    %reduce_sum3A_88 = vector.multi_reduction <add>, %mul3A_87, %reduce_sum3A [1] : vector<1000x8x128xf32> to vector<1000x128xf32>
    %get3A_89 = arith.constant 0 : index
    %get3A_90 = arith.constant 0 : index
    %get3A_91 = vector.load %arg14[%get3A_89, %get3A_90] : memref<128x32xf32, #tpu.memory_space<vmem>>, vector<128x32xf32>
    %dot_general3A_92 = arith.constant dense<0.000000e+00> : vector<1000x32xf32>
    %dot_general3A_93 = tpu.matmul %reduce_sum3A_88, %get3A_91, %dot_general3A_92 {dimension_numbers = #tpu.dot_dimension_numbers<[1], [0], [0], [1], [0, 0, 1, 1], [], []>, transpose_lhs_hint = false} : vector<1000x128xf32>, vector<128x32xf32>, vector<1000x32xf32> -> vector<1000x32xf32>
    %swap3A = arith.constant 0 : index
    %swap3A_94 = arith.constant 0 : index
    %swap3A_95 = vector.load %arg15[%swap3A, %swap3A_94] : memref<1000x32xf32, #tpu.memory_space<vmem>>, vector<1000x32xf32>
    tpu.vector_store %arg15[%swap3A, %swap3A_94], %dot_general3A_93 {strides = array<i32>} : memref<1000x32xf32, #tpu.memory_space<vmem>>, vector<1000x32xf32>,
    %reduce_sum3A_96 = arith.constant dense<0.000000e+00> : vector<32xf32>
    %reduce_sum3A_97 = vector.multi_reduction <add>, %dot_general3A_93, %reduce_sum3A_96 [0] : vector<1000x32xf32> to vector<32xf32>
    %broadcast_in_dim3A_98 = vector.shape_cast %reduce_sum3A_97 : vector<32xf32> to vector<1x32xf32>
    %mul3A_99 = arith.mulf %dot_general3A_93, %dot_general3A_93 : vector<1000x32xf32>
    %reduce_sum3A_100 = arith.constant dense<0.000000e+00> : vector<32xf32>
    %reduce_sum3A_101 = vector.multi_reduction <add>, %mul3A_99, %reduce_sum3A_100 [0] : vector<1000x32xf32> to vector<32xf32>
    %broadcast_in_dim3A_102 = vector.shape_cast %reduce_sum3A_101 : vector<32xf32> to vector<1x32xf32>
    %broadcast_in_dim3A_103 = arith.constant 0.000000e+00 : f32
    %broadcast_in_dim3A_104 = vector.broadcast %broadcast_in_dim3A_103 : f32 to vector<6x32xf32>
    %concatenate3A_105 = tpu.concatenate %broadcast_in_dim3A_98, %broadcast_in_dim3A_102, %broadcast_in_dim3A_104 in 0 : vector<1x32xf32>, vector<1x32xf32>, vector<6x32xf32> -> vector<8x32xf32>
    %eq3A = arith.constant 0 : i32
    %eq3A_106 = arith.cmpi eq, %arg0, %eq3A : i32
    %convert_element_type3A = arith.extui %eq3A_106 : i1 to i32
    %cond3A = arith.constant 0 : i32
    %cond3A_107 = arith.cmpi ne, %convert_element_type3A, %cond3A : i32
    scf.if %cond3A_107 {
      %broadcast_in_dim3A_115 = arith.constant 0.000000e+00 : f32
      %broadcast_in_dim3A_116 = vector.broadcast %broadcast_in_dim3A_115 : f32 to vector<8x32xf32>
      %swap3A_117 = arith.constant 0 : index
      %swap3A_118 = arith.constant 0 : index
      %swap3A_119 = vector.load %arg16[%swap3A_117, %swap3A_118] : memref<8x32xf32, #tpu.memory_space<vmem>>, vector<8x32xf32>
      tpu.vector_store %arg16[%swap3A_117, %swap3A_118], %broadcast_in_dim3A_116 {strides = array<i32>} : memref<8x32xf32, #tpu.memory_space<vmem>>, vector<8x32xf32>,
    } else {
    }
    %get3A_108 = arith.constant 0 : index
    %get3A_109 = arith.constant 0 : index
    %get3A_110 = vector.load %arg16[%get3A_108, %get3A_109] : memref<8x32xf32, #tpu.memory_space<vmem>>, vector<8x32xf32>
    %add3A_111 = arith.addf %get3A_110, %concatenate3A_105 : vector<8x32xf32>
    %swap3A_112 = arith.constant 0 : index
    %swap3A_113 = arith.constant 0 : index
    %swap3A_114 = vector.load %arg16[%swap3A_112, %swap3A_113] : memref<8x32xf32, #tpu.memory_space<vmem>>, vector<8x32xf32>
    tpu.vector_store %arg16[%swap3A_112, %swap3A_113], %add3A_111 {strides = array<i32>} : memref<8x32xf32, #tpu.memory_space<vmem>>, vector<8x32xf32>,
    return
  }
  func.func @transform_0(%arg0: i32) -> (i32, i32) {
    %c0_i32 = arith.constant 0 : i32
    %c0_i32_0 = arith.constant 0 : i32
    return %arg0, %c0_i32 : i32, i32
  }
  func.func @transform_1(%arg0: i32) -> (i32, i32) {
    %c0_i32 = arith.constant 0 : i32
    %c0_i32_0 = arith.constant 0 : i32
    return %arg0, %c0_i32 : i32, i32
  }
  func.func @transform_2(%arg0: i32) -> (i32, i32) {
    %c0_i32 = arith.constant 0 : i32
    %c0_i32_0 = arith.constant 0 : i32
    return %arg0, %c0_i32 : i32, i32
  }
  func.func @transform_3(%arg0: i32) -> (i32, i32) {
    %c0_i32 = arith.constant 0 : i32
    %c0_i32_0 = arith.constant 0 : i32
    %c0_i32_1 = arith.constant 0 : i32
    return %c0_i32, %c0_i32_0 : i32, i32
  }
  func.func @transform_4(%arg0: i32) -> (i32, i32) {
    %c0_i32 = arith.constant 0 : i32
    %c0_i32_0 = arith.constant 0 : i32
    %c0_i32_1 = arith.constant 0 : i32
    return %c0_i32, %c0_i32_0 : i32, i32
  }
  func.func @transform_5(%arg0: i32) -> (i32, i32) {
    %c0_i32 = arith.constant 0 : i32
    %c0_i32_0 = arith.constant 0 : i32
    %c0_i32_1 = arith.constant 0 : i32
    return %c0_i32, %c0_i32_0 : i32, i32
  }
  func.func @transform_6(%arg0: i32) -> (i32, i32) {
    %c0_i32 = arith.constant 0 : i32
    %c0_i32_0 = arith.constant 0 : i32
    %c0_i32_1 = arith.constant 0 : i32
    return %c0_i32, %c0_i32_0 : i32, i32
  }
  func.func @transform_7(%arg0: i32) -> (i32, i32) {
    %c0_i32 = arith.constant 0 : i32
    %c0_i32_0 = arith.constant 0 : i32
    %c0_i32_1 = arith.constant 0 : i32
    return %c0_i32, %c0_i32_0 : i32, i32
  }
  func.func @transform_8(%arg0: i32) -> (i32, i32) {
    %c0_i32 = arith.constant 0 : i32
    %c0_i32_0 = arith.constant 0 : i32
    %c0_i32_1 = arith.constant 0 : i32
    return %c0_i32, %c0_i32_0 : i32, i32
  }
  func.func @transform_9(%arg0: i32) -> (i32, i32) {
    %c0_i32 = arith.constant 0 : i32
    %c0_i32_0 = arith.constant 0 : i32
    %c0_i32_1 = arith.constant 0 : i32
    return %c0_i32, %c0_i32_0 : i32, i32
  }
  func.func @transform_10(%arg0: i32) -> (i32, i32) {
    %c0_i32 = arith.constant 0 : i32
    %c0_i32_0 = arith.constant 0 : i32
    %c0_i32_1 = arith.constant 0 : i32
    return %c0_i32, %c0_i32_0 : i32, i32
  }
  func.func @transform_11(%arg0: i32) -> (i32, i32) {
    %c0_i32 = arith.constant 0 : i32
    %c0_i32_0 = arith.constant 0 : i32
    %c0_i32_1 = arith.constant 0 : i32
    return %c0_i32, %c0_i32_0 : i32, i32
  }
  func.func @transform_12(%arg0: i32) -> (i32, i32) {
    %c0_i32 = arith.constant 0 : i32
    %c0_i32_0 = arith.constant 0 : i32
    %c0_i32_1 = arith.constant 0 : i32
    return %c0_i32, %c0_i32_0 : i32, i32
  }
  func.func @transform_13(%arg0: i32) -> (i32, i32) {
    %c0_i32 = arith.constant 0 : i32
    %c0_i32_0 = arith.constant 0 : i32
    %c0_i32_1 = arith.constant 0 : i32
    return %c0_i32, %c0_i32_0 : i32, i32
  }
  func.func @transform_14(%arg0: i32) -> (i32, i32) {
    %c0_i32 = arith.constant 0 : i32
    %c0_i32_0 = arith.constant 0 : i32
    return %arg0, %c0_i32 : i32, i32
  }
  func.func @transform_15(%arg0: i32) -> (i32, i32) {
    %c0_i32 = arith.constant 0 : i32
    %c0_i32_0 = arith.constant 0 : i32
    %c0_i32_1 = arith.constant 0 : i32
    return %c0_i32, %c0_i32_0 : i32, i32
  }
}

module attributes {stable_mosaic.version = 14 : i64} {
  func.func @_k5(%arg0: i32, %arg1: memref<2000x128xf32, #tpu.memory_space<vmem>>, %arg2: memref<8x128xf32, #tpu.memory_space<vmem>>, %arg3: memref<1x128xf32, #tpu.memory_space<vmem>>, %arg4: memref<1x128xf32, #tpu.memory_space<vmem>>, %arg5: memref<2000x128xf32, #tpu.memory_space<vmem>>, %arg6: memref<2000x128xf32, #tpu.memory_space<vmem>>) attributes {dimension_semantics = [#tpu.dimension_semantics<arbitrary>], iteration_bounds = array<i64: 5>, scalar_prefetch = 0 : i64, scratch_operands = 0 : i64, tpu.core_type = #tpu.core_type<tc>, window_params = [{transform_indices = @transform_0, window_bounds = array<i64: 2000, 128>}, {pipeline_mode = #tpu.pipeline_mode<synchronous>, transform_indices = @transform_1, window_bounds = array<i64: 8, 128>}, {pipeline_mode = #tpu.pipeline_mode<synchronous>, transform_indices = @transform_2, window_bounds = array<i64: 1, 128>}, {pipeline_mode = #tpu.pipeline_mode<synchronous>, transform_indices = @transform_3, window_bounds = array<i64: 1, 128>}, {transform_indices = @transform_4, window_bounds = array<i64: 2000, 128>}, {transform_indices = @transform_5, window_bounds = array<i64: 2000, 128>}]} {
    %get3A = arith.constant 0 : index
    %get3A_0 = arith.constant 0 : index
    %get3A_1 = vector.load %arg2[%get3A, %get3A_0] : memref<8x128xf32, #tpu.memory_space<vmem>>, vector<1x128xf32>
    %mul3A = arith.constant 9.99999974E-5 : f32
    %mul3A_2 = vector.broadcast %mul3A : f32 to vector<1x128xf32>
    %mul3A_3 = arith.mulf %get3A_1, %mul3A_2 : vector<1x128xf32>
    %get3A_4 = arith.constant 1 : index
    %get3A_5 = arith.constant 0 : index
    %get3A_6 = vector.load %arg2[%get3A_4, %get3A_5] : memref<8x128xf32, #tpu.memory_space<vmem>>, vector<1x128xf32>
    %mul3A_7 = arith.constant 9.99999974E-5 : f32
    %mul3A_8 = vector.broadcast %mul3A_7 : f32 to vector<1x128xf32>
    %mul3A_9 = arith.mulf %get3A_6, %mul3A_8 : vector<1x128xf32>
    %mul3A_10 = arith.mulf %mul3A_3, %mul3A_3 : vector<1x128xf32>
    %sub3A = arith.subf %mul3A_9, %mul3A_10 : vector<1x128xf32>
    %get3A_11 = arith.constant 0 : index
    %get3A_12 = arith.constant 0 : index
    %get3A_13 = vector.load %arg3[%get3A_11, %get3A_12] : memref<1x128xf32, #tpu.memory_space<vmem>>, vector<1x128xf32>
    %add3A = arith.constant 9.99999974E-6 : f32
    %add3A_14 = vector.broadcast %add3A : f32 to vector<1x128xf32>
    %add3A_15 = arith.addf %sub3A, %add3A_14 : vector<1x128xf32>
    %sqrt3A = math.sqrt %add3A_15 : vector<1x128xf32>
    %div3A = arith.divf %get3A_13, %sqrt3A : vector<1x128xf32>
    %get3A_16 = arith.constant 0 : index
    %get3A_17 = arith.constant 0 : index
    %get3A_18 = vector.load %arg4[%get3A_16, %get3A_17] : memref<1x128xf32, #tpu.memory_space<vmem>>, vector<1x128xf32>
    %mul3A_19 = arith.mulf %mul3A_3, %div3A : vector<1x128xf32>
    %sub3A_20 = arith.subf %get3A_18, %mul3A_19 : vector<1x128xf32>
    %get3A_21 = arith.constant 0 : index
    %get3A_22 = arith.constant 0 : index
    %get3A_23 = vector.load %arg1[%get3A_21, %get3A_22] : memref<2000x128xf32, #tpu.memory_space<vmem>>, vector<2000x128xf32>
    %mul3A_24 = vector.broadcast %div3A : vector<1x128xf32> to vector<2000x128xf32>
    %mul3A_25 = arith.mulf %get3A_23, %mul3A_24 : vector<2000x128xf32>
    %add3A_26 = vector.broadcast %sub3A_20 : vector<1x128xf32> to vector<2000x128xf32>
    %add3A_27 = arith.addf %mul3A_25, %add3A_26 : vector<2000x128xf32>
    %get3A_28 = arith.constant 0 : index
    %get3A_29 = arith.constant 0 : index
    %get3A_30 = vector.load %arg5[%get3A_28, %get3A_29] : memref<2000x128xf32, #tpu.memory_space<vmem>>, vector<2000x128xf32>
    %add3A_31 = arith.addf %add3A_27, %get3A_30 : vector<2000x128xf32>
    %ge3A = arith.constant 0.000000e+00 : f32
    %ge3A_32 = vector.broadcast %ge3A : f32 to vector<2000x128xf32>
    %ge3A_33 = arith.cmpf oge, %add3A_31, %ge3A_32 : vector<2000x128xf32>
    %mul3A_34 = arith.constant 1.000000e-01 : f32
    %mul3A_35 = vector.broadcast %mul3A_34 : f32 to vector<2000x128xf32>
    %mul3A_36 = arith.mulf %mul3A_35, %add3A_31 : vector<2000x128xf32>
    %select_n3A = arith.select %ge3A_33, %add3A_31, %mul3A_36 : vector<2000x128xi1>, vector<2000x128xf32>
    %swap3A = arith.constant 0 : index
    %swap3A_37 = arith.constant 0 : index
    %swap3A_38 = vector.load %arg6[%swap3A, %swap3A_37] : memref<2000x128xf32, #tpu.memory_space<vmem>>, vector<2000x128xf32>
    tpu.vector_store %arg6[%swap3A, %swap3A_37], %select_n3A {strides = array<i32>} : memref<2000x128xf32, #tpu.memory_space<vmem>>, vector<2000x128xf32>,
    return
  }
  func.func @transform_0(%arg0: i32) -> (i32, i32) {
    %c0_i32 = arith.constant 0 : i32
    %c0_i32_0 = arith.constant 0 : i32
    return %arg0, %c0_i32 : i32, i32
  }
  func.func @transform_1(%arg0: i32) -> (i32, i32) {
    %c0_i32 = arith.constant 0 : i32
    %c0_i32_0 = arith.constant 0 : i32
    %c0_i32_1 = arith.constant 0 : i32
    return %c0_i32, %c0_i32_0 : i32, i32
  }
  func.func @transform_2(%arg0: i32) -> (i32, i32) {
    %c0_i32 = arith.constant 0 : i32
    %c0_i32_0 = arith.constant 0 : i32
    %c0_i32_1 = arith.constant 0 : i32
    return %c0_i32, %c0_i32_0 : i32, i32
  }
  func.func @transform_3(%arg0: i32) -> (i32, i32) {
    %c0_i32 = arith.constant 0 : i32
    %c0_i32_0 = arith.constant 0 : i32
    %c0_i32_1 = arith.constant 0 : i32
    return %c0_i32, %c0_i32_0 : i32, i32
  }
  func.func @transform_4(%arg0: i32) -> (i32, i32) {
    %c0_i32 = arith.constant 0 : i32
    %c0_i32_0 = arith.constant 0 : i32
    return %arg0, %c0_i32 : i32, i32
  }
  func.func @transform_5(%arg0: i32) -> (i32, i32) {
    %c0_i32 = arith.constant 0 : i32
    %c0_i32_0 = arith.constant 0 : i32
    return %arg0, %c0_i32 : i32, i32
  }
}

</mosaic_0001>

<sc_bundles>
// kernel: kernel.8.cloned.1.call-start
scs
__scs_entry_jumppad:
0x0: {  	(pc) =	sbr.rel $0x88, $3  }
0x1: {  	(tag) =	ssettag $0x0;
	lr =	simm.s32 $0x1  }
0x2: {  	[smem:$0x3F90] =	sst lr;
	_ =	strace $0xD0000000  }
0x3: {  	_ = 	snop  }
0x4: {  	_ = 	snop  }
0x5: {  	_ = 	snop  }
0x6: {  	_ = 	snop  }
0x7: {  	_ = 	snop  }
__scs_overlays_trampoline_lowered:
0x8: {  	[smem:$0x3F9F] =	sst s0  }
0x9: {  	[smem:$0x3FA0] =	sst s1  }
0xa: {  	[smem:$0x3FA1] =	sst s2  }
0xb: {  	[smem:$0x3FA2] =	sst s3  }
0xc: {  	[smem:$0x3FA3] =	sst s4  }
0xd: {  	[smem:$0x3FA4] =	sst s5  }
0xe: {  	[smem:$0x3FA5] =	sst s6  }
0xf: {  	[smem:$0x3FA6] =	sst s7  }
0x10: {  	[smem:$0x3FA7] =	sst s8  }
0x11: {  	[smem:$0x3FA8] =	sst s9;
	s0 =	simm.s32 @!p0 $0x0  }
0x12: {  	s1 =	sld [smem:$0x3F8E];
	s0 =	simm.s32 @p0 $0x1  }
0x13: {  	[smem:$0x3FA9] =	sst s0;
	s0 =	simm.s32 @!p1 $0x0  }
0x14: {  	s2 =	sld [smem:$0x3F8D];
	s0 =	simm.s32 @p1 $0x1  }
0x15: {  	[smem:$0x3FAA] =	sst s0;
	s0 =	simm.s32 @!p2 $0x0  }
0x16: {  	s3 =	sld [smem:$0x3FDB];
	s0 =	simm.s32 @p2 $0x1  }
0x17: {  	s4 =	simm.s32 $0x1BF5;
	[smem:$0x3FAC] =	sst s0  }
0x18: {  	s0 =	sld [smem:$0x3F8F];
	_ =	swait.ge [sflag:s4], $0x0  }
0x19: {  	s7 =	sld [smem:$0x3F90]  }
0x1a: {  	s8 =	sadd.s32 $0xFFFFE003, lr  }
0x1b: {  	s9 =	sadd.s32 $0xFFFFFEF7, lr;
	s5 =	simm.s32 $0xFFFFFFFF;
	p2 =	slt.u32 s8, $0xFFFFF086  }
0x1c: {  	p1 =	slt.u32 s9, $0xF7A;
	s5 =	simm.s32 @!p2 $0x0  }
0x1d: {  	s5 =	simm.s32 @p1 $0x1;
	p0 =	seq.s32 s7, s2  }
0x1e: {  	s7 =	smul.u32 @!p0 $0xF7A, s2;
	p2 =	seq.s32 @!p0 s5, $0x0  }
0x1f: {  	s9 =	smul.u32 $0xF7A, s1;
	s8 =	simm.s32 @!p0 $0x1BF5;
	p2 =	por !p2, p0  }
0x20: {  	[sflag:s8] =	ssyncset.s32 @!p0 $0xFFFFF086;
	s6 =	sadd.s32 @!p0 s3, s7;
	s7 =	simm.s32 @!p0 $0x108  }
0x21: {  	s3 =	sadd.s32 s3, s9;
	s6 =	sadd.s32 @!p0 $0x88, s6;
	s7 =	simm.s32 @p2 $0x1082  }
0x22: {  	[simem:s7], [sflag:s8] =	dma.local @!p0 [hbm:s6], $0xF7A  }
0x23: {  	s9 =	sor.u32 $0xD0000000, s2;
	s6 =	simm.s32 $0x108;
	_ =	swait.ge @!p0 [sflag:s8], $0x0  }
0x24: {  	s3 =	sadd.s32 $0x88, s3;
	s6 =	simm.s32 @!p1 $0x1082;
	[sflag:s4] =	ssyncset.s32 $0xFFFFF086  }
0x25: {  	[simem:s6], [sflag:s4] =	dma.local [hbm:s3], $0xF7A  }
0x26: {  	[smem:$0x3F90] =	sst s1;
	(tag) =	ssettag s2;
	_ =	strace s9  }
0x27: {  	s1 =	sld [smem:$0x3FA0]  }
0x28: {  	s2 =	sld [smem:$0x3FA1]  }
0x29: {  	s4 =	sld [smem:$0x3FA3]  }
0x2a: {  	p0 =	seq.s32 s5, $0x0;
	s5 =	sld [smem:$0x3FA4]  }
0x2b: {  	s6 =	sld [smem:$0x3FA5]  }
0x2c: {  	s7 =	sld [smem:$0x3FA6]  }
0x2d: {  	s3 =	simm.s32 $0x108;
	s8 =	sld [smem:$0x3FA7]  }
0x2e: {  	s3 =	simm.s32 @!p0 $0x1082;
	s9 =	sld [smem:$0x3FA8]  }
0x2f: {  	lr =	sadd.s32 s0, s3;
	s0 =	sld [smem:$0x3F9F]  }
0x30: {  	s3 =	sld [smem:$0x3FA2]  }
0x31: {  	[smem:$0x3FAB] =	sst s10  }
0x32: {  	s10 =	sld [smem:$0x3FA9];
	_ =	sdelay $0x3  }
0x33: {  	p0 =	seq.s32 s10, $0x1;
	s10 =	sld [smem:$0x3FAB];
	_ =	sdelay $0x3  }
0x34: {  	[smem:$0x3FAB] =	sst s10  }
0x35: {  	s10 =	sld [smem:$0x3FAA];
	_ =	sdelay $0x3  }
0x36: {  	p1 =	seq.s32 s10, $0x1;
	s10 =	sld [smem:$0x3FAB];
	_ =	sdelay $0x3  }
0x37: {  	[smem:$0x3FAB] =	sst s10  }
0x38: {  	s10 =	sld [smem:$0x3FAC]  }
0x39: {  	_ = 	snop;
	(pc) =	sbr.ind lr, $3  }
0x3a: {  	_ = 	snop  }
0x3b: {  	_ = 	snop  }
0x3c: {  	p2 =	seq.s32 s10, $0x1;
	s10 =	sld [smem:$0x3FAB]  }
0x3d: {  	_ =	shalt  }
0x3e: {  	_ =	shalt  }
0x3f: {  	_ =	shalt  }
0x40: {  	_ =	shalt  }
0x41: {  	_ =	shalt  }
0x42: {  	_ =	shalt  }
0x43: {  	_ =	shalt  }
0x44: {  	_ =	shalt  }
0x45: {  	_ =	shalt  }
0x46: {  	_ =	shalt  }
0x47: {  	_ =	shalt  }
0x48: {  	_ =	shalt  }
0x49: {  	_ =	shalt  }
0x4a: {  	_ =	shalt  }
0x4b: {  	_ =	shalt  }
0x4c: {  	_ =	shalt  }
0x4d: {  	_ =	shalt  }
0x4e: {  	_ =	shalt  }
0x4f: {  	_ =	shalt  }
0x50: {  	_ =	shalt  }
0x51: {  	_ =	shalt  }
0x52: {  	_ =	shalt  }
0x53: {  	_ =	shalt  }
0x54: {  	_ =	shalt  }
0x55: {  	_ =	shalt  }
0x56: {  	_ =	shalt  }
0x57: {  	_ =	shalt  }
0x58: {  	_ =	shalt  }
0x59: {  	_ =	shalt  }
0x5a: {  	_ =	shalt  }
0x5b: {  	_ =	shalt  }
0x5c: {  	_ =	shalt  }
0x5d: {  	_ =	shalt  }
0x5e: {  	_ =	shalt  }
0x5f: {  	_ =	shalt  }
0x60: {  	_ =	shalt  }
0x61: {  	_ =	shalt  }
0x62: {  	_ =	shalt  }
0x63: {  	_ =	shalt  }
0x64: {  	_ =	shalt  }
0x65: {  	_ =	shalt  }
0x66: {  	_ =	shalt  }
0x67: {  	_ =	shalt  }
0x68: {  	_ =	shalt  }
0x69: {  	_ =	shalt  }
0x6a: {  	_ =	shalt  }
0x6b: {  	_ =	shalt  }
0x6c: {  	_ =	shalt  }
0x6d: {  	_ =	shalt  }
0x6e: {  	_ =	shalt  }
0x6f: {  	_ =	shalt  }
0x70: {  	_ =	shalt  }
0x71: {  	_ =	shalt  }
0x72: {  	_ =	shalt  }
0x73: {  	_ =	shalt  }
0x74: {  	_ =	shalt  }
0x75: {  	_ =	shalt  }
0x76: {  	_ =	shalt  }
0x77: {  	_ =	shalt  }
0x78: {  	_ =	shalt  }
0x79: {  	_ =	shalt  }
0x7a: {  	_ =	shalt  }
0x7b: {  	_ =	shalt  }
0x7c: {  	_ =	shalt  }
0x7d: {  	_ =	shalt  }
0x7e: {  	_ =	shalt  }
0x7f: {  	_ =	shalt  }
0x80: {  	_ =	shalt  }
0x81: {  	_ =	shalt  }
0x82: {  	_ =	shalt  }
0x83: {  	_ =	shalt  }
0x84: {  	_ =	shalt  }
0x85: {  	_ =	shalt  }
0x86: {  	_ =	shalt  }
0x87: {  	_ =	shalt  }
.Lfunc_end0:
.L_simem_size_0:
called_computation_lowered:
.L_overlay_start_0:
0x88: {  	s2 =	sld [smem:$0x3FD9]  }
0x89: {  	s3 =	sld [smem:$0x3FFE];
	_ =	sdelay $0x1  }
0x8a: {  	s1 =	srdreg.scid  }
0x8b: {  	s0 =	sand.u32 $0x1, s1  }
0x8c: {  	s17 =	sshll.u32 s0, $0xA;
	s2 =	sadd.s32 s3, s2  }
0x8d: {  	s2 =	sadd.s32 s2, s17  }
0x8e: {  	[smem:$0x3FB7] =	sst s2  }
0x8f: {  	_ = 	snop  }
0x90: {  	s2 =	sld [smem:$0x3FD0];
	(tm) =	ssettm $0x1  }
0x91: {  	s18 =	sld [smem:$0x3FFB];
	_ =	sdelay $0x3  }
0x92: {  	_ =	strace s18  }
0x93: {  	s3 =	sld [smem:$0x3FFC];
	_ =	sdelay $0x3  }
0x94: {  	_ =	strace s3  }
0x95: {  	s3 =	sld [smem:$0x3FFD];
	_ =	sdelay $0x3  }
0x96: {  	_ =	strace s3  }
0x97: {  	_ =	strace $0x8FFFFFFF  }
0x98: {  	s19 =	sld [smem:$0x3FDB];
	_ =	sdelay $0x1  }
0x99: {  	s4 =	simm.s32 $_scs_section_size  }
0x9a: {  	s5 =	simm.s32 $_size__tile_overlayer_lowered;
	s6 =	simm.s32 $_tile_overlayer_lowered  }
0x9b: {  	s22 =	simm.s32 $0x1BFF;
	s21 =	sshll.u32 s6, $0x1;
	s3 =	sadd.s32 s4, s19  }
0x9c: {  	s7 =	simm.s32 $0x0;
	s20 =	sshll.u32 s5, $0x1;
	s5 =	sadd.s32 s21, s3  }
0x9d: {  	[timem:s7], [sflag:s22] =	dma.local [hbm:s5], s20  }
0x9e: {  	_ =	swait.ge [sflag:s22], s20  }
0x9f: {  	s4 =	ssub.s32 $0x0, s20;
	[sflag:s22] =	ssyncset.done $0x0  }
0xa0: {  	[sflag:s22] =	ssyncadd.s32 s4;
	_ =	sdelay $0x1  }
0xa1: {  	s23 =	simm.s32 $0x1B8B  }
0xa2: {  	_ =	swait.ge [sflag:s23], $0x1  }
0xa3: {  	[sflag:s23] =	ssyncset.done $0x0  }
0xa4: {  	s25 =	simm.s32 $0x1B8E;
	s24 =	sld [smem:$0x3FFE];
	[sflag:s23] =	ssyncadd.s32 $0xFFFFFFFF  }
0xa5: {  	s26 =	simm.s32 $execute0_lowered;
	[smem:$0x3FD2] =	sst s25  }
0xa6: {  	s5 =	sshll.u32 s26, $0x1;
	_ =	strace $0x80000046;
	[dreg:$0x1] =	wrdreg $0xFFFFFFFF  }
0xa7: {  	s28 =	simm.s32 $_size_execute0_lowered;
	s3 =	sadd.s32 s3, s5;
	[dreg:$0x0] =	wrdreg $0x0  }
0xa8: {  	s5 =	sshll.u32 s28, $0x1;
	[dreg:$0x2] =	wrdreg s3  }
0xa9: {  	[dreg:$0x3] =	wrdreg s5  }
0xaa: {  	[dreg:$0x4] =	wrdreg $0xC0  }
0xab: {  	_ =	task [dreg:s7], $0x5FFFF  }
0xac: {  	[dreg:$0x1] =	wrdreg $0xFFFFFFFF  }
0xad: {  	[dreg:$0x0] =	wrdreg $0x60  }
0xae: {  	[dreg:$0x2] =	wrdreg s2  }
0xaf: {  	[dreg:$0x3] =	wrdreg s24  }
0xb0: {  	[dreg:$0x4] =	wrdreg $0x27100  }
0xb1: {  	[dreg:$0x5] =	wrdreg $0x75300  }
0xb2: {  	[dreg:$0x6] =	wrdreg $0x9  }
0xb3: {  	_ =	task.clear_ibuf [dreg:s7], $0x7FFFF;
	_ =	strace $0x90000046  }
0xb4: {  	s29 =	simm.s32 $0x9;
	_ =	strace $0x80000048  }
0xb5: {  	_ =	swait.ge [sflag:s29], $0x1  }
0xb6: {  	[sflag:s29] =	ssyncadd.s32 $0xFFFFFFFF  }
0xb7: {  	_ =	strace $0x90000048  }
0xb8: {  	_ =	sfence  }
0xb9: {  	s30 =	sld [smem:$0x0];
	_ =	sdelay $0x2  }
0xba: {  	s31 =	sshll.u32 s1, $0xD;
	s1 =	sshrl.u32 s1, $0x2  }
0xbb: {  	s3 =	sand.u32 $0x4000, s31;
	s1 =	sadd.s32 s1, s30  }
0xbc: {  	s0 =	sor.u32 s3, s0;
	s1 =	sshll.u32 s1, $0x11  }
0xbd: {  	s0 =	sor.u32 s1, s0  }
0xbe: {  	s0 =	sadd.s32 $0x8F2B, s0  }
0xbf: {  	[sflag:s0] =	ssyncadd.remote.s32 $0x1  }
0xc0: {  	_ =	sfence.sel $0xFFFF  }
0xc1: {  	[dreg:$0x0] =	wrdreg $0xFFFFFFFF;
	(pc) =	sbr.abs _section_cstart, $3  }
0xc2: {  	[dreg:$0x1] =	wrdreg $0xFFFFFFFF  }
0xc3: {  	_ =	task.clear_ibuf [dreg:s7], $0x2FFFF;
	_ =	strace $0x9FFFFFFF  }
0xc4: {  	(tm) =	ssettm $0x7FFFFFFF  }
0xc5: {  	_ =	shalt  }
tec
execute0_lowered:
.L_overlay_start_1:
0x0: {  	(tag) =	ssettag $0x1  }
0x1: {  	s0 =	rddreg [dreg:$0x0];
	s1 =	srdreg.scid  }
0x2: {  	s17 =	stileid.u32;
	s5 =	rddreg [dreg:$0x1]  }
0x3: {  	s2 =	rddreg [dreg:$0x2];
	s4 =	simm.s32 $0x0;
	s18 =	simm.s32 $0x4  }
0x4: {  	s19 =	simm.s32 $0x8;
	s28 =	simm.s32 $0x3;
	s29 =	simm.s32 $0x2  }
0x5: {  	s30 =	simm.s32 $0x0;
	s1 =	sand.u32 $0x1, s1;
	s11 =	smul.u32 $0x4E20, s17  }
0x6: {  	s3 =	sshll.u32 s17, $0x1;
	[smem:$0x7FF] =	sst s4;
	s9 =	smul.u32 $0x1388, s17  }
0x7: {  	s14 =	sadd.s32 $0xC000, s5;
	s15 =	sadd.s32 $0x144800, s5;
	s25 =	smul.u32 $0x13880, s17  }
0x8: {  	s21 =	sshll.u32 s17, $0x6;
	s17 =	simm.s32 $0x1;
	s13 =	smul.u32 $0x2710, s1  }
0x9: {  	s6 =	sor.u32 s1, s3;
	s8 =	ssub.s32 $0x2, s1;
	s1 =	smul.u32 $0x9C40, s1  }
0xa: {  	s3 =	rddreg [dreg:$0x3];
	_ =	strace $0x80000047;
	s7 =	smul.u32 $0x2710, s6  }
0xb: {  	s20 =	sshrl.u32 s8, $0x1;
	s10 =	smul.u32 $0x4E200, s6;
	s16 =	sadd.s32 s11, s2  }
0xc: {  	s22 =	sadd.s32 s0, s9;
	s6 =	sor.u32 $0x1C05, s21;
	s21 =	sadd.s32 s11, s3  }
0xd: {  	s31 =	sadd.s32 s25, s15;
	s12 =	ssub.s32 s8, s20;
	[dreg:$0x5] =	wrdreg s22  }
0xe: {  	s26 =	sadd.s32 s13, s11;
	s16 =	sshrl.u32 s16, $0x3;
	s20 =	simm.s32 $0x5  }
0xf: {  	s21 =	sshrl.u32 s21, $0x3;
	s7 =	sshrl.u32 s7, $0x3;
	s23 =	sshrl.u32 s10, $0x3  }
0x10: {  	s11 =	smax.u32 s12, $0x1;
	s12 =	sadd.s32 s1, s31;
	s7 =	sadd.s32 s7, s5  }
0x11: {  	s0 =	sadd.s32 $0x9600, s23;
	s5 =	sadd.s32 $0x4, s22;
	s22 =	simm.s32 $0x190  }
0x12: {  	s23 =	simm.s32 $0xC350;
	[dreg:$0x6] =	wrdreg s5;
	s24 =	sadd.s32 $0x2200, s7  }
0x13: {  	s9 =	sadd.s32 s14, s0;
	s10 =	sadd.s32 s15, s0;
	s7 =	sshll.u32 s26, $0x2  }
0x14: {  	s0 =	sadd.s32 s25, s14;
	s25 =	simm.s32 $0x12750;
	s26 =	simm.s32 $0x15950  }
0x15: {  	[dreg:$0x7] =	wrdreg s24;
	s7 =	sadd.s32 $0x640, s7;
	s13 =	sadd.s32 s1, s0  }
0x16: {  	s24 =	simm.s32 $0xF550;
	s14 =	sadd.s32 s7, s14;
	s15 =	sadd.s32 s7, s15  }
.LBB2_1:
0x17: {  	s0 =	rddreg [dreg:$0x5]  }
0x18: {  	[spmem:s16@s18], [sflag:s6] =	dma.strided [hbm:s0@s19], $0x9C4, s17, $0x4   }
0x19: {  	_ =	swait.ge [sflag:s20], $0x9C4  }
0x1a: {  	[sflag:s20] =	ssyncset.done $0x0  }
0x1b: {  	s1 =	rddreg [dreg:$0x6];
	[sflag:s20] =	ssyncadd.s32 $0xFFFFF63C  }
0x1c: {  	[spmem:s21@s18], [sflag:s6] =	dma.strided [hbm:s1@s19], $0x9C4, s17, $0x4   }
0x1d: {  	_ =	swait.ge [sflag:s20], $0x9C4  }
0x1e: {  	[sflag:s20] =	ssyncset.done $0x0  }
0x1f: {  	s5 =	rddreg [dreg:$0x7];
	[sflag:s20] =	ssyncadd.s32 $0xFFFFF63C  }
0x20: {  	[tilespmem:s4], [sflag:$0x5] =	stream.linear.gather [hbm4b:s5+s4], $0x2710, $0x38;
	[tilespmem:$0x18B50] =	vst v63  }
0x21: {  	_ =	swait.ge [sflag:s20], $0x2710  }
0x22: {  	[sflag:s20] =	ssyncset.done $0x0  }
0x23: {  	[sflag:s20] =	ssyncadd.s32 $0xFFFFD8F0  }
0x24: {  	[bflag:$0x0] =	sbarrier.arrive $0xFFFF  }
0x25: {  	[tilespmem:s23], [sflag:$0x1] =	stream.indirect.gather [spmem:s2], $0x20, s4, s22, $0xb8;
	[tilespmem:$0x18B50] =	vst v63  }
0x26: {  	_ = 	snop  }
0x27: {  	[tilespmem:s24], [sflag:$0x1] =	stream.indirect.gather [spmem:s3], $0x20, s4, s22, $0xb8;
	[tilespmem:$0x18B50] =	vst v63  }
0x28: {  	s7 =	simm.s32 $0x190  }
0x29: {  	[tilespmem:s25], [sflag:$0x2] =	stream.indirect.gather [spmem:s2], $0x20, s7, s22, $0xb8;
	[tilespmem:$0x18B50] =	vst v63  }
0x2a: {  	_ = 	snop  }
0x2b: {  	[tilespmem:s26], [sflag:$0x2] =	stream.indirect.gather [spmem:s3], $0x20, s7, s22, $0xb8;
	[tilespmem:$0x18B50] =	vst v63  }
0x2c: {  	_ =	swait.ge [sflag:s17], $0x3200  }
0x2d: {  	[sflag:s17] =	ssyncset.done $0x0  }
0x2e: {  	[sflag:s17] =	ssyncadd.s32 $0xFFFFCE00  }
0x2f: {  	_ =	swait.ge [sflag:s17], $0x3200  }
0x30: {  	[sflag:s17] =	ssyncset.done $0x0  }
0x31: {  	s8 =	sadd.s32 $0x0, s13;
	[sflag:s17] =	ssyncadd.s32 $0xFFFFCE00  }
0x32: {  	[hbm4b:s8+s4] =	stream.linear.scatter [tilespmem:s23], [sflag:$0x3], $0x3200, $0x38;
	[tilespmem:$0x18B50] =	vst v63  }
0x33: {  	s1 =	sadd.s32 $0x0, s12  }
0x34: {  	[hbm4b:s1+s4] =	stream.linear.scatter [tilespmem:s24], [sflag:$0x3], $0x3200, $0x38;
	[tilespmem:$0x18B50] =	vst v63  }
0x35: {  	_ =	swait.ge [sflag:s28], $0x3200  }
0x36: {  	[sflag:s28] =	ssyncset.done $0x0  }
0x37: {  	[sflag:s28] =	ssyncadd.s32 $0xFFFFCE00  }
0x38: {  	_ =	swait.ge [sflag:s28], $0x3200  }
0x39: {  	[sflag:s28] =	ssyncset.done $0x0  }
0x3a: {  	s5 =	simm.s32 $0x320;
	[sflag:s28] =	ssyncadd.s32 $0xFFFFCE00  }
0x3b: {  	[tilespmem:s23], [sflag:$0x1] =	stream.indirect.gather [spmem:s2], $0x20, s5, s22, $0xb8;
	[tilespmem:$0x18B50] =	vst v63  }
0x3c: {  	_ = 	snop  }
0x3d: {  	[tilespmem:s24], [sflag:$0x1] =	stream.indirect.gather [spmem:s3], $0x20, s5, s22, $0xb8;
	[tilespmem:$0x18B50] =	vst v63  }
0x3e: {  	_ =	swait.ge [sflag:s29], $0x3200  }
0x3f: {  	[sflag:s29] =	ssyncset.done $0x0  }
0x40: {  	[sflag:s29] =	ssyncadd.s32 $0xFFFFCE00  }
0x41: {  	_ =	swait.ge [sflag:s29], $0x3200  }
0x42: {  	[sflag:s29] =	ssyncset.done $0x0  }
0x43: {  	s7 =	sadd.s32 $0x0, s14;
	[sflag:s29] =	ssyncadd.s32 $0xFFFFCE00  }
0x44: {  	[hbm4b:s7+s4] =	stream.linear.scatter [tilespmem:s25], [sflag:$0x4], $0x3200, $0x38;
	[tilespmem:$0x18B50] =	vst v63  }
0x45: {  	s8 =	sadd.s32 $0x0, s15  }
0x46: {  	[hbm4b:s8+s4] =	stream.linear.scatter [tilespmem:s26], [sflag:$0x4], $0x3200, $0x38;
	[tilespmem:$0x18B50] =	vst v63  }
0x47: {  	_ =	swait.ge [sflag:s18], $0x3200  }
0x48: {  	[sflag:s18] =	ssyncset.done $0x0  }
0x49: {  	[sflag:s18] =	ssyncadd.s32 $0xFFFFCE00  }
0x4a: {  	s31 =	simm.s32 $0xC80;
	_ =	swait.ge [sflag:s18], $0x3200  }
0x4b: {  	s0 =	simm.s32 $0x320;
	s1 =	simm.s32 $0x1900;
	[sflag:s18] =	ssyncset.done $0x0  }
.LBB2_2:
0x4c: {  	s8 =	sadd.s32 $0x190, s0  }
0x4d: {  	[sflag:s18] =	ssyncadd.s32 $0xFFFFCE00;
	s5 =	smov.u32 s1;
	s7 =	sadd.s32 $0xC80, s1  }
0x4e: {  	[tilespmem:s25], [sflag:$0x2] =	stream.indirect.gather [spmem:s2], $0x20, s8, s22, $0xb8;
	[tilespmem:$0x18B50] =	vst v63  }
0x4f: {  	p0 =	sne.s32 s1, $0x8980  }
0x50: {  	[tilespmem:s26], [sflag:$0x2] =	stream.indirect.gather [spmem:s3], $0x20, s8, s22, $0xb8;
	[tilespmem:$0x18B50] =	vst v63  }
0x51: {  	_ =	swait.ge [sflag:s17], $0x3200  }
0x52: {  	[sflag:s17] =	ssyncset.done $0x0  }
0x53: {  	[sflag:s17] =	ssyncadd.s32 $0xFFFFCE00  }
0x54: {  	_ =	swait.ge [sflag:s17], $0x3200  }
0x55: {  	[sflag:s17] =	ssyncset.done $0x0  }
0x56: {  	s1 =	sadd.s32 s31, s13;
	[sflag:s17] =	ssyncadd.s32 $0xFFFFCE00  }
0x57: {  	[hbm4b:s1+s4] =	stream.linear.scatter [tilespmem:s23], [sflag:$0x3], $0x3200, $0x38;
	[tilespmem:$0x18B50] =	vst v63  }
0x58: {  	s1 =	sadd.s32 s31, s12  }
0x59: {  	[hbm4b:s1+s4] =	stream.linear.scatter [tilespmem:s24], [sflag:$0x3], $0x3200, $0x38;
	[tilespmem:$0x18B50] =	vst v63  }
0x5a: {  	_ =	swait.ge [sflag:s28], $0x3200  }
0x5b: {  	[sflag:s28] =	ssyncset.done $0x0  }
0x5c: {  	[sflag:s28] =	ssyncadd.s32 $0xFFFFCE00  }
0x5d: {  	_ =	swait.ge [sflag:s28], $0x3200  }
0x5e: {  	[sflag:s28] =	ssyncset.done $0x0  }
0x5f: {  	s0 =	sadd.s32 $0x320, s0;
	[sflag:s28] =	ssyncadd.s32 $0xFFFFCE00  }
0x60: {  	[tilespmem:s23], [sflag:$0x1] =	stream.indirect.gather [spmem:s2], $0x20, s0, s22, $0xb8;
	[tilespmem:$0x18B50] =	vst v63  }
0x61: {  	_ = 	snop  }
0x62: {  	[tilespmem:s24], [sflag:$0x1] =	stream.indirect.gather [spmem:s3], $0x20, s0, s22, $0xb8;
	[tilespmem:$0x18B50] =	vst v63  }
0x63: {  	_ =	swait.ge [sflag:s29], $0x3200  }
0x64: {  	[sflag:s29] =	ssyncset.done $0x0  }
0x65: {  	[sflag:s29] =	ssyncadd.s32 $0xFFFFCE00  }
0x66: {  	_ =	swait.ge [sflag:s29], $0x3200  }
0x67: {  	[sflag:s29] =	ssyncset.done $0x0  }
0x68: {  	s0 =	sadd.s32 s31, s14;
	[sflag:s29] =	ssyncadd.s32 $0xFFFFCE00  }
0x69: {  	[hbm4b:s0+s4] =	stream.linear.scatter [tilespmem:s25], [sflag:$0x4], $0x3200, $0x38;
	[tilespmem:$0x18B50] =	vst v63  }
0x6a: {  	s0 =	sadd.s32 s31, s15;
	s31 =	smov.u32 s5  }
0x6b: {  	[hbm4b:s0+s4] =	stream.linear.scatter [tilespmem:s26], [sflag:$0x4], $0x3200, $0x38;
	[tilespmem:$0x18B50] =	vst v63  }
.Ltmp0:
0x6c: {  	_ =	swait.ge [sflag:s18], $0x3200;
	(pc) =	sbr.rel @p0 .LBB2_2-.Ltmp0, $4  }
0x6d: {  	[sflag:s18] =	ssyncset.done $0x0  }
0x6e: {  	[sflag:s18] =	ssyncadd.s32 $0xFFFFCE00  }
0x6f: {  	_ =	swait.ge [sflag:s18], $0x3200  }
0x70: {  	s1 =	smov.u32 s7;
	s0 =	sshra.s32 s31, $0x2;
	[sflag:s18] =	ssyncset.done $0x0  }
0x71: {  	s1 =	sadd.s32 $0x190, s0;
	[sflag:s18] =	ssyncadd.s32 $0xFFFFCE00  }
0x72: {  	[tilespmem:s25], [sflag:$0x2] =	stream.indirect.gather [spmem:s2], $0x20, s1, s22, $0xb8;
	[tilespmem:$0x18B50] =	vst v63  }
0x73: {  	_ = 	snop  }
0x74: {  	[tilespmem:s26], [sflag:$0x2] =	stream.indirect.gather [spmem:s3], $0x20, s1, s22, $0xb8;
	[tilespmem:$0x18B50] =	vst v63  }
0x75: {  	_ =	swait.ge [sflag:s17], $0x3200  }
0x76: {  	[sflag:s17] =	ssyncset.done $0x0  }
0x77: {  	[sflag:s17] =	ssyncadd.s32 $0xFFFFCE00  }
0x78: {  	_ =	swait.ge [sflag:s17], $0x3200  }
0x79: {  	[sflag:s17] =	ssyncset.done $0x0  }
0x7a: {  	s8 =	sadd.s32 s31, s13;
	[sflag:s17] =	ssyncadd.s32 $0xFFFFCE00  }
0x7b: {  	[hbm4b:s8+s4] =	stream.linear.scatter [tilespmem:s23], [sflag:$0x3], $0x3200, $0x38;
	[tilespmem:$0x18B50] =	vst v63  }
0x7c: {  	s5 =	sadd.s32 s31, s12  }
0x7d: {  	[hbm4b:s5+s4] =	stream.linear.scatter [tilespmem:s24], [sflag:$0x3], $0x3200, $0x38;
	[tilespmem:$0x18B50] =	vst v63  }
0x7e: {  	_ =	swait.ge [sflag:s28], $0x3200  }
0x7f: {  	[sflag:s28] =	ssyncset.done $0x0  }
0x80: {  	[sflag:s28] =	ssyncadd.s32 $0xFFFFCE00  }
0x81: {  	_ =	swait.ge [sflag:s28], $0x3200  }
0x82: {  	[sflag:s28] =	ssyncset.done $0x0  }
0x83: {  	s7 =	sadd.s32 $0x320, s0;
	[sflag:s28] =	ssyncadd.s32 $0xFFFFCE00  }
0x84: {  	[tilespmem:s23], [sflag:$0x1] =	stream.indirect.gather [spmem:s2], $0x20, s7, s22, $0xb8;
	[tilespmem:$0x18B50] =	vst v63  }
0x85: {  	_ = 	snop  }
0x86: {  	[tilespmem:s24], [sflag:$0x1] =	stream.indirect.gather [spmem:s3], $0x20, s7, s22, $0xb8;
	[tilespmem:$0x18B50] =	vst v63  }
0x87: {  	_ =	swait.ge [sflag:s29], $0x3200  }
0x88: {  	[sflag:s29] =	ssyncset.done $0x0  }
0x89: {  	[sflag:s29] =	ssyncadd.s32 $0xFFFFCE00  }
0x8a: {  	_ =	swait.ge [sflag:s29], $0x3200  }
0x8b: {  	[sflag:s29] =	ssyncset.done $0x0  }
0x8c: {  	s8 =	sadd.s32 s31, s14;
	[sflag:s29] =	ssyncadd.s32 $0xFFFFCE00  }
0x8d: {  	[hbm4b:s8+s4] =	stream.linear.scatter [tilespmem:s25], [sflag:$0x4], $0x3200, $0x38;
	[tilespmem:$0x18B50] =	vst v63  }
0x8e: {  	s31 =	sadd.s32 s31, s15  }
0x8f: {  	[hbm4b:s31+s4] =	stream.linear.scatter [tilespmem:s26], [sflag:$0x4], $0x3200, $0x38;
	[tilespmem:$0x18B50] =	vst v63  }
0x90: {  	_ =	swait.ge [sflag:s18], $0x3200  }
0x91: {  	[sflag:s18] =	ssyncset.done $0x0  }
0x92: {  	[sflag:s18] =	ssyncadd.s32 $0xFFFFCE00  }
0x93: {  	_ =	swait.ge [sflag:s18], $0x3200  }
0x94: {  	[sflag:s18] =	ssyncset.done $0x0  }
0x95: {  	[sflag:s18] =	ssyncadd.s32 $0xFFFFCE00  }
0x96: {  	_ =	swait.ge [sflag:s17], $0x3200  }
0x97: {  	[sflag:s17] =	ssyncset.done $0x0  }
0x98: {  	[sflag:s17] =	ssyncadd.s32 $0xFFFFCE00  }
0x99: {  	_ =	swait.ge [sflag:s17], $0x3200  }
0x9a: {  	[sflag:s17] =	ssyncset.done $0x0  }
0x9b: {  	[sflag:s17] =	ssyncadd.s32 $0xFFFFCE00  }
0x9c: {  	[hbm4b:s9+s4] =	stream.linear.scatter [tilespmem:s23], [sflag:$0x3], $0x3200, $0x38;
	[tilespmem:$0x18B50] =	vst v63  }
0x9d: {  	s30 =	sadd.s32 $0x1, s30  }
0x9e: {  	[hbm4b:s10+s4] =	stream.linear.scatter [tilespmem:s24], [sflag:$0x3], $0x3200, $0x38;
	[tilespmem:$0x18B50] =	vst v63  }
0x9f: {  	p0 =	sne.s32 s30, s11;
	_ =	swait.ge [sflag:s28], $0x3200  }
.Ltmp1:
0xa0: {  	[sflag:s28] =	ssyncset.done $0x0;
	(pc) =	sbr.rel @p0 .LBB2_1-.Ltmp1, $4  }
0xa1: {  	[sflag:s28] =	ssyncadd.s32 $0xFFFFCE00  }
0xa2: {  	_ =	swait.ge [sflag:s28], $0x3200  }
0xa3: {  	[sflag:s28] =	ssyncset.done $0x0  }
0xa4: {  	[sflag:s28] =	ssyncadd.s32 $0xFFFFCE00  }
0xa5: {  	_ =	sfence.sel $0x180000  }
0xa6: {  	[bflag:$0x0] =	sbarrier.arrive $0xFFFF  }
0xa7: {  	_ =	strace $0x90000047  }
0xa8: {  	s0 =	stileid.u32;
	[bflag:$0x2] =	sbarrier.arrive $0xFFFF  }
0xa9: {  	p0 =	sne.s32 s0, $0x0;
	s0 =	rddreg [dreg:$0x4]  }
0xaa: {  	s0 =	sadd.s32 @!p0 $0x100000, s0  }
0xab: {  	[sflag:s0] =	ssyncadd.tile.s32 @!p0 $0x1;
	_ =	shalt  }
.Lfunc_end2:
_tile_overlayer_lowered:
.L_overlay_start_2:
0xac: {  	(tag) =	ssettag $0x2  }
0xad: {  	s0 =	rddreg [dreg:$0x0];
	s2 =	stileid.u32  }
0xae: {  	s1 =	rddreg [dreg:$0x1];
	p0 =	sne.s32 s2, $0x0  }
0xaf: {  	s3 =	rddreg [dreg:$0x2];
	[bflag:$0x3] =	sbarrier.arrive $0xFFFF;
	s2 =	simm.s32 @!p0 $0x1C05  }
0xb0: {  	[timem:s3], [sflag:s2] =	dma.local @!p0 [hbm:s0], s1  }
0xb1: {  	s0 =	simm.s32 @!p0 $0x5  }
0xb2: {  	_ =	swait.ge @!p0 [sflag:s0], s1  }
0xb3: {  	s1 =	ssub.s32 @!p0 $0x0, s1;
	[sflag:s0] =	ssyncset.done @!p0 $0x0  }
0xb4: {  	[sflag:s0] =	ssyncadd.s32 @!p0 s1  }
0xb5: {  	[bflag:$0x3] =	sbarrier.arrive $0xFFFF  }
0xb6: {  	_ =	shalt  }

</sc_bundles>
